<compile_context>
chip_gen: v7x
topology: tpu7x:2x2x1
jax: 0.10.2.dev20260603
libtpu: 0.0.44.dev20260713+nightly
codegen_flags: <defaults>
</compile_context>

<pallas_src>
import functools

import jax
import jax.numpy as jnp
import numpy as np
from jax import lax
from jax.experimental import pallas as pl
from jax.experimental.pallas import tpu as pltpu
from jax.experimental.pallas import tpu_sc as plsc

_N = 20000
_MAX_OUT = 100
_IOU_THRESH = 0.5
_L = 16
_NTILES = 16
_SH = 1264
_SHP = _SH + 16
_NP = _SH * _NTILES


def _nms_sc_body(x1h, y1h, x2h, y2h, sch, outh,
                 x1s, y1s, x2s, y2s, oss, css, a2s, pub, gath, outa, shared):
    cid = lax.axis_index("c")
    sid = lax.axis_index("s")
    base = sid * _SH
    pltpu.sync_copy(x1h.at[pl.ds(base, _SH)], x1s.at[pl.ds(0, _SH)])
    pltpu.sync_copy(y1h.at[pl.ds(base, _SH)], y1s.at[pl.ds(0, _SH)])
    pltpu.sync_copy(x2h.at[pl.ds(base, _SH)], x2s.at[pl.ds(0, _SH)])
    pltpu.sync_copy(y2h.at[pl.ds(base, _SH)], y2s.at[pl.ds(0, _SH)])
    pltpu.sync_copy(sch.at[pl.ds(base, _SH)], oss.at[pl.ds(0, _SH)])
    pltpu.sync_copy(sch.at[pl.ds(base, _SH)], css.at[pl.ds(0, _SH)])

    lane = lax.iota(jnp.int32, 16)
    neg_inf = np.float32(-np.inf)
    css[pl.ds(_SH, _L)] = jnp.full((16,), neg_inf, jnp.float32)
    is_writer = (cid == 0) & (sid == 0)

    def splat_f(x):
        return jnp.full((16,), x, jnp.float32)

    def splat_i(x):
        return jnp.full((16,), x, jnp.int32)

    m0 = jnp.full((16,), neg_inf, jnp.float32)
    i0 = jnp.zeros((16,), jnp.int32)

    @plsc.parallel_loop(0, _SHP, step=_L, unroll=8)
    def _a2_init(off):
        a2s[pl.ds(off, _L)] = ((x2s[pl.ds(off, _L)] - x1s[pl.ds(off, _L)]) *
                               (y2s[pl.ds(off, _L)] - y1s[pl.ds(off, _L)]))

    @plsc.parallel_loop(0, _SHP, step=_L, unroll=8, carry=(m0, i0))
    def carry0(off, carry):
        m, ids = carry
        v = css[pl.ds(off, _L)]
        ivec = splat_i(off) + lane
        upd = v > m
        return (jnp.where(upd, v, m), jnp.where(upd, ivec, ids))

    perms = [jnp.bitwise_and(lane + s, 15) for s in (8, 4, 2, 1)]

    def iter_body(i, carry):
        m, ids = carry
        for p in perms:
            mp = jnp.take_along_axis(m, p, axis=0)
            ip = jnp.take_along_axis(ids, p, axis=0)
            better = (mp > m) | ((mp == m) & (ip < ids))
            m = jnp.where(better, mp, m)
            ids = jnp.where(better, ip, ids)
        bs = m[0]
        bi = ids[0]
        x1w = x1s[pl.ds(bi, 16)]
        y1w = y1s[pl.ds(bi, 16)]
        x2w = x2s[pl.ds(bi, 16)]
        y2w = y2s[pl.ds(bi, 16)]
        osw = oss[pl.ds(bi, 16)]
        pubv = jnp.where(lane == 0, bs,
               jnp.where(lane == 1, x1w[0],
               jnp.where(lane == 2, y1w[0],
               jnp.where(lane == 3, x2w[0],
               jnp.where(lane == 4, y2w[0],
               jnp.where(lane == 5, osw[0], np.float32(0.0)))))))
        pub[...] = pubv
        buf = jnp.bitwise_and(i, 1) * 256
        pltpu.sync_copy(pub, shared.at[pl.ds(buf + sid * 16, 16)])
        plsc.subcore_barrier()
        pltpu.sync_copy(shared.at[pl.ds(buf, 256)], gath.at[pl.ds(0, 256)])

        sv = plsc.load_gather(gath, [lane * 16])
        tv = lane
        for p in perms:
            sp = jnp.take_along_axis(sv, p, axis=0)
            tp = jnp.take_along_axis(tv, p, axis=0)
            better = (sp > sv) | ((sp == sv) & (tp < tv))
            sv = jnp.where(better, sp, sv)
            tv = jnp.where(better, tp, tv)
        gt = tv[0]
        wrec = gath[pl.ds(gt * 16, 16)]
        x1b = splat_f(wrec[1])
        y1b = splat_f(wrec[2])
        x2b = splat_f(wrec[3])
        y2b = splat_f(wrec[4])
        a1 = (x2b - x1b) * (y2b - y1b)

        @pl.when(is_writer)
        def _():
            row = jnp.where(lane == 0, x1b,
                  jnp.where(lane == 1, y1b,
                  jnp.where(lane == 2, x2b,
                  jnp.where(lane == 3, y2b,
                  jnp.where(lane == 4, splat_f(wrec[5]), np.float32(0.0))))))
            outa[pl.ds(i * 16, 16)] = row

        @plsc.parallel_loop(0, _SHP, step=_L, unroll=8, carry=(m0, i0))
        def nxt(off, carry2):
            m2, ids2 = carry2
            xv1 = x1s[pl.ds(off, _L)]
            yv1 = y1s[pl.ds(off, _L)]
            xv2 = x2s[pl.ds(off, _L)]
            yv2 = y2s[pl.ds(off, _L)]
            v = css[pl.ds(off, _L)]
            ix1 = jnp.maximum(x1b, xv1)
            iy1 = jnp.maximum(y1b, yv1)
            ix2 = jnp.minimum(x2b, xv2)
            iy2 = jnp.minimum(y2b, yv2)
            iw = jnp.maximum(ix2 - ix1, np.float32(0.0))
            ih = jnp.maximum(iy2 - iy1, np.float32(0.0))
            inter = iw * ih
            a2 = a2s[pl.ds(off, _L)]
            union = (a1 + a2) - inter
            iou = inter / (union + np.float32(1e-9))
            v2 = jnp.where(iou > _IOU_THRESH, neg_inf, v)
            css[pl.ds(off, _L)] = v2
            ivec2 = splat_i(off) + lane
            upd = v2 > m2
            return (jnp.where(upd, v2, m2), jnp.where(upd, ivec2, ids2))

        return nxt

    lax.fori_loop(0, _MAX_OUT, iter_body, carry0)

    @pl.when(is_writer)
    def _():
        pltpu.sync_copy(outa, outh)


@jax.jit
def kernel(boxes, scores):
    pad = _NP - _N
    x1 = jnp.pad(boxes[:, 0], (0, pad))
    y1 = jnp.pad(boxes[:, 1], (0, pad))
    x2 = jnp.pad(boxes[:, 2], (0, pad), constant_values=1.0)
    y2 = jnp.pad(boxes[:, 3], (0, pad), constant_values=1.0)
    sc = jnp.pad(scores, (0, pad), constant_values=-jnp.inf)
    mesh = plsc.VectorSubcoreMesh(core_axis_name="c", subcore_axis_name="s",
                                  num_cores=2, num_subcores=_NTILES)
    f = functools.partial(
        pl.kernel,
        mesh=mesh,
        compiler_params=pltpu.CompilerParams(needs_layout_passes=False),
        out_type=jax.ShapeDtypeStruct((_MAX_OUT * 16,), jnp.float32),
        scratch_types=[
            pltpu.VMEM((_SHP,), jnp.float32),
            pltpu.VMEM((_SHP,), jnp.float32),
            pltpu.VMEM((_SHP,), jnp.float32),
            pltpu.VMEM((_SHP,), jnp.float32),
            pltpu.VMEM((_SHP,), jnp.float32),
            pltpu.VMEM((_SHP,), jnp.float32),
            pltpu.VMEM((_SHP,), jnp.float32),
            pltpu.VMEM((16,), jnp.float32),
            pltpu.VMEM((272,), jnp.float32),
            pltpu.VMEM((_MAX_OUT * 16,), jnp.float32),
            pltpu.VMEM_SHARED((512,), jnp.float32),
        ],
    )(_nms_sc_body)
    out = f(x1, y1, x2, y2, sc)
    return out.reshape(_MAX_OUT, 16)[:, :5]

# --- scband reference (transcript-rebuilt; emitter-appended) ---
"""Pipeline reference for scband-darknet-90958817394785 (READ-ONLY COPY).

The authoritative reference and input builder live on the scoring server;
editing this copy changes nothing except your own understanding.
"""

import jax, jax.numpy as jnp
import numpy as np

N = 20000
MAX_OUT = 100
IOU_THRESH = 0.5


def setup_inputs(seed: int = 0) -> dict:
    key = jax.random.key(seed)
    k1, k2, k3 = jax.random.split(key, 3)
    # boxes spec: float32[N,4], fill=rand; raw uniform draws are transformed into
    # valid x1y1x2y2 boxes (x1<x2, y1<y2) over a 512x512 canvas so IoU math is meaningful
    xy = jax.random.uniform(k1, (N, 2), dtype=jnp.float32) * 512.0
    wh = jax.random.uniform(k2, (N, 2), dtype=jnp.float32) * 64.0 + 1.0
    boxes = jnp.concatenate([xy, xy + wh], axis=1)
    scores = jax.random.uniform(k3, (N,), dtype=jnp.float32)
    return {"boxes": boxes, "scores": scores}


def _iou_one_vs_all(box, boxes):
    # bbox_ious from the Darknet module, x1y1x2y2=True form, one box vs all boxes
    x1 = jnp.maximum(box[0], boxes[:, 0])
    y1 = jnp.maximum(box[1], boxes[:, 1])
    x2 = jnp.minimum(box[2], boxes[:, 2])
    y2 = jnp.minimum(box[3], boxes[:, 3])
    iw = jnp.clip(x2 - x1, 0.0)
    ih = jnp.clip(y2 - y1, 0.0)
    inter = iw * ih
    a1 = (box[2] - box[0]) * (box[3] - box[1])
    a2 = (boxes[:, 2] - boxes[:, 0]) * (boxes[:, 3] - boxes[:, 1])
    union = a1 + a2 - inter
    return inter / (union + 1e-9)


def reference(boxes, scores):
    # Greedy hard-NMS as used in Darknet/YOLO post-processing:
    # repeatedly pick the highest-scoring box, suppress boxes with IoU > thresh.
    def body(i, state):
        sc, idxs = state
        j = jnp.argmax(sc)
        idxs = idxs.at[i].set(j.astype(jnp.int32))
        box = jnp.take(boxes, j, axis=0)
        ious = _iou_one_vs_all(box, boxes)
        neg = jnp.full_like(sc, -jnp.inf)
        sc = jnp.where(ious > IOU_THRESH, neg, sc)
        sc = sc.at[j].set(-jnp.inf)
        return (sc, idxs)

    idxs0 = jnp.zeros((MAX_OUT,), dtype=jnp.int32)
    _, idxs = jax.lax.fori_loop(0, MAX_OUT, body, (scores, idxs0))
    sel_boxes = jnp.take(boxes, idxs, axis=0)
    sel_scores = jnp.take(scores, idxs, axis=0)
    return jnp.concatenate([sel_boxes, sel_scores[:, None]], axis=1)

if __name__ == "__main__":
    import jax
    _d = setup_inputs()
    print(jax.jit(kernel)(*tuple(_d.values())))

</pallas_src>

<mosaic_0001>
#map = affine_map<(d0, d1) -> (0)>
module attributes {stable_mosaic.version = 14 : i64} {
  func.func @_nms_sc_body(%arg0: i32, %arg1: i32, %arg2: memref<20224xf32, #tpu.memory_space<hbm>>, %arg3: memref<20224xf32, #tpu.memory_space<hbm>>, %arg4: memref<20224xf32, #tpu.memory_space<hbm>>, %arg5: memref<20224xf32, #tpu.memory_space<hbm>>, %arg6: memref<20224xf32, #tpu.memory_space<hbm>>, %arg7: memref<1600xf32, #tpu.memory_space<hbm>>, %arg8: memref<1280xf32, #tpu.memory_space<vmem>>, %arg9: memref<1280xf32, #tpu.memory_space<vmem>>, %arg10: memref<1280xf32, #tpu.memory_space<vmem>>, %arg11: memref<1280xf32, #tpu.memory_space<vmem>>, %arg12: memref<1280xf32, #tpu.memory_space<vmem>>, %arg13: memref<1280xf32, #tpu.memory_space<vmem>>, %arg14: memref<1280xf32, #tpu.memory_space<vmem>>, %arg15: memref<16xf32, #tpu.memory_space<vmem>>, %arg16: memref<272xf32, #tpu.memory_space<vmem>>, %arg17: memref<1600xf32, #tpu.memory_space<vmem>>, %arg18: memref<512xf32, #tpu.memory_space<vmem_shared>>) attributes {dimension_semantics = [#tpu.dimension_semantics<core_parallel>, #tpu.dimension_semantics<subcore_parallel>], iteration_bounds = array<i64: 2, 16>, scalar_prefetch = 0 : i64, scratch_operands = 11 : i64, tpu.core_type = #tpu.core_type<sc_vector_subcore>, window_params = [{transform_indices = #map}, {transform_indices = #map}, {transform_indices = #map}, {transform_indices = #map}, {transform_indices = #map}, {transform_indices = #map}]} {
    %mul3A = arith.constant 1264 : i32
    %mul3A_0 = arith.muli %arg1, %mul3A : i32
    "tpu.region"() ({
      %run_scoped3A = tpu.sem_alloc : memref<!tpu.dma_semaphore, #tpu.memory_space<semaphore_mem>>
      %dma_start3A = arith.constant 0 : i32
      %dma_start3A_45 = tpu.memref_slice %arg8[%dma_start3A] : memref<1280xf32, #tpu.memory_space<vmem>> -> memref<1264xf32, #tpu.memory_space<vmem>>
      %dma_start3A_46 = tpu.memref_slice %arg2[%mul3A_0] : memref<20224xf32, #tpu.memory_space<hbm>> -> memref<1264xf32, #tpu.memory_space<hbm>>
      %dma_start3A_47 = arith.constant 0 : i32
      %dma_start3A_48 = tpu.memref_slice %arg8[%dma_start3A_47] : memref<1280xf32, #tpu.memory_space<vmem>> -> memref<1264xf32, #tpu.memory_space<vmem>>
      %dma_start3A_49 = tpu.memref_slice %arg2[%mul3A_0] : memref<20224xf32, #tpu.memory_space<hbm>> -> memref<1264xf32, #tpu.memory_space<hbm>>
      tpu.enqueue_dma source(%dma_start3A_49 : memref<1264xf32, #tpu.memory_space<hbm>>) target(%dma_start3A_48 : memref<1264xf32, #tpu.memory_space<vmem>>) target_semaphore(%run_scoped3A : memref<!tpu.dma_semaphore, #tpu.memory_space<semaphore_mem>>)
      %dma_wait3A = arith.constant 0 : i32
      %dma_wait3A_50 = tpu.memref_slice %arg8[%dma_wait3A] : memref<1280xf32, #tpu.memory_space<vmem>> -> memref<1264xf32, #tpu.memory_space<vmem>>
      %dma_wait3A_51 = tpu.memref_slice %arg2[%mul3A_0] : memref<20224xf32, #tpu.memory_space<hbm>> -> memref<1264xf32, #tpu.memory_space<hbm>>
      %dma_wait3A_52 = arith.constant 0 : i32
      %dma_wait3A_53 = tpu.memref_slice %arg8[%dma_wait3A_52] : memref<1280xf32, #tpu.memory_space<vmem>> -> memref<1264xf32, #tpu.memory_space<vmem>>
      %dma_wait3A_54 = tpu.memref_slice %arg2[%mul3A_0] : memref<20224xf32, #tpu.memory_space<hbm>> -> memref<1264xf32, #tpu.memory_space<hbm>>
      tpu.wait_dma2 semaphore(%run_scoped3A : memref<!tpu.dma_semaphore, #tpu.memory_space<semaphore_mem>>) src(%dma_wait3A_54 : memref<1264xf32, #tpu.memory_space<hbm>>) dst(%dma_wait3A_53 : memref<1264xf32, #tpu.memory_space<vmem>>)
      tpu.yield
    }) : () -> ()
    "tpu.region"() ({
      %run_scoped3A = tpu.sem_alloc : memref<!tpu.dma_semaphore, #tpu.memory_space<semaphore_mem>>
      %dma_start3A = arith.constant 0 : i32
      %dma_start3A_45 = tpu.memref_slice %arg9[%dma_start3A] : memref<1280xf32, #tpu.memory_space<vmem>> -> memref<1264xf32, #tpu.memory_space<vmem>>
      %dma_start3A_46 = tpu.memref_slice %arg3[%mul3A_0] : memref<20224xf32, #tpu.memory_space<hbm>> -> memref<1264xf32, #tpu.memory_space<hbm>>
      %dma_start3A_47 = arith.constant 0 : i32
      %dma_start3A_48 = tpu.memref_slice %arg9[%dma_start3A_47] : memref<1280xf32, #tpu.memory_space<vmem>> -> memref<1264xf32, #tpu.memory_space<vmem>>
      %dma_start3A_49 = tpu.memref_slice %arg3[%mul3A_0] : memref<20224xf32, #tpu.memory_space<hbm>> -> memref<1264xf32, #tpu.memory_space<hbm>>
      tpu.enqueue_dma source(%dma_start3A_49 : memref<1264xf32, #tpu.memory_space<hbm>>) target(%dma_start3A_48 : memref<1264xf32, #tpu.memory_space<vmem>>) target_semaphore(%run_scoped3A : memref<!tpu.dma_semaphore, #tpu.memory_space<semaphore_mem>>)
      %dma_wait3A = arith.constant 0 : i32
      %dma_wait3A_50 = tpu.memref_slice %arg9[%dma_wait3A] : memref<1280xf32, #tpu.memory_space<vmem>> -> memref<1264xf32, #tpu.memory_space<vmem>>
      %dma_wait3A_51 = tpu.memref_slice %arg3[%mul3A_0] : memref<20224xf32, #tpu.memory_space<hbm>> -> memref<1264xf32, #tpu.memory_space<hbm>>
      %dma_wait3A_52 = arith.constant 0 : i32
      %dma_wait3A_53 = tpu.memref_slice %arg9[%dma_wait3A_52] : memref<1280xf32, #tpu.memory_space<vmem>> -> memref<1264xf32, #tpu.memory_space<vmem>>
      %dma_wait3A_54 = tpu.memref_slice %arg3[%mul3A_0] : memref<20224xf32, #tpu.memory_space<hbm>> -> memref<1264xf32, #tpu.memory_space<hbm>>
      tpu.wait_dma2 semaphore(%run_scoped3A : memref<!tpu.dma_semaphore, #tpu.memory_space<semaphore_mem>>) src(%dma_wait3A_54 : memref<1264xf32, #tpu.memory_space<hbm>>) dst(%dma_wait3A_53 : memref<1264xf32, #tpu.memory_space<vmem>>)
      tpu.yield
    }) : () -> ()
    "tpu.region"() ({
      %run_scoped3A = tpu.sem_alloc : memref<!tpu.dma_semaphore, #tpu.memory_space<semaphore_mem>>
      %dma_start3A = arith.constant 0 : i32
      %dma_start3A_45 = tpu.memref_slice %arg10[%dma_start3A] : memref<1280xf32, #tpu.memory_space<vmem>> -> memref<1264xf32, #tpu.memory_space<vmem>>
      %dma_start3A_46 = tpu.memref_slice %arg4[%mul3A_0] : memref<20224xf32, #tpu.memory_space<hbm>> -> memref<1264xf32, #tpu.memory_space<hbm>>
      %dma_start3A_47 = arith.constant 0 : i32
      %dma_start3A_48 = tpu.memref_slice %arg10[%dma_start3A_47] : memref<1280xf32, #tpu.memory_space<vmem>> -> memref<1264xf32, #tpu.memory_space<vmem>>
      %dma_start3A_49 = tpu.memref_slice %arg4[%mul3A_0] : memref<20224xf32, #tpu.memory_space<hbm>> -> memref<1264xf32, #tpu.memory_space<hbm>>
      tpu.enqueue_dma source(%dma_start3A_49 : memref<1264xf32, #tpu.memory_space<hbm>>) target(%dma_start3A_48 : memref<1264xf32, #tpu.memory_space<vmem>>) target_semaphore(%run_scoped3A : memref<!tpu.dma_semaphore, #tpu.memory_space<semaphore_mem>>)
      %dma_wait3A = arith.constant 0 : i32
      %dma_wait3A_50 = tpu.memref_slice %arg10[%dma_wait3A] : memref<1280xf32, #tpu.memory_space<vmem>> -> memref<1264xf32, #tpu.memory_space<vmem>>
      %dma_wait3A_51 = tpu.memref_slice %arg4[%mul3A_0] : memref<20224xf32, #tpu.memory_space<hbm>> -> memref<1264xf32, #tpu.memory_space<hbm>>
      %dma_wait3A_52 = arith.constant 0 : i32
      %dma_wait3A_53 = tpu.memref_slice %arg10[%dma_wait3A_52] : memref<1280xf32, #tpu.memory_space<vmem>> -> memref<1264xf32, #tpu.memory_space<vmem>>
      %dma_wait3A_54 = tpu.memref_slice %arg4[%mul3A_0] : memref<20224xf32, #tpu.memory_space<hbm>> -> memref<1264xf32, #tpu.memory_space<hbm>>
      tpu.wait_dma2 semaphore(%run_scoped3A : memref<!tpu.dma_semaphore, #tpu.memory_space<semaphore_mem>>) src(%dma_wait3A_54 : memref<1264xf32, #tpu.memory_space<hbm>>) dst(%dma_wait3A_53 : memref<1264xf32, #tpu.memory_space<vmem>>)
      tpu.yield
    }) : () -> ()
    "tpu.region"() ({
      %run_scoped3A = tpu.sem_alloc : memref<!tpu.dma_semaphore, #tpu.memory_space<semaphore_mem>>
      %dma_start3A = arith.constant 0 : i32
      %dma_start3A_45 = tpu.memref_slice %arg11[%dma_start3A] : memref<1280xf32, #tpu.memory_space<vmem>> -> memref<1264xf32, #tpu.memory_space<vmem>>
      %dma_start3A_46 = tpu.memref_slice %arg5[%mul3A_0] : memref<20224xf32, #tpu.memory_space<hbm>> -> memref<1264xf32, #tpu.memory_space<hbm>>
      %dma_start3A_47 = arith.constant 0 : i32
      %dma_start3A_48 = tpu.memref_slice %arg11[%dma_start3A_47] : memref<1280xf32, #tpu.memory_space<vmem>> -> memref<1264xf32, #tpu.memory_space<vmem>>
      %dma_start3A_49 = tpu.memref_slice %arg5[%mul3A_0] : memref<20224xf32, #tpu.memory_space<hbm>> -> memref<1264xf32, #tpu.memory_space<hbm>>
      tpu.enqueue_dma source(%dma_start3A_49 : memref<1264xf32, #tpu.memory_space<hbm>>) target(%dma_start3A_48 : memref<1264xf32, #tpu.memory_space<vmem>>) target_semaphore(%run_scoped3A : memref<!tpu.dma_semaphore, #tpu.memory_space<semaphore_mem>>)
      %dma_wait3A = arith.constant 0 : i32
      %dma_wait3A_50 = tpu.memref_slice %arg11[%dma_wait3A] : memref<1280xf32, #tpu.memory_space<vmem>> -> memref<1264xf32, #tpu.memory_space<vmem>>
      %dma_wait3A_51 = tpu.memref_slice %arg5[%mul3A_0] : memref<20224xf32, #tpu.memory_space<hbm>> -> memref<1264xf32, #tpu.memory_space<hbm>>
      %dma_wait3A_52 = arith.constant 0 : i32
      %dma_wait3A_53 = tpu.memref_slice %arg11[%dma_wait3A_52] : memref<1280xf32, #tpu.memory_space<vmem>> -> memref<1264xf32, #tpu.memory_space<vmem>>
      %dma_wait3A_54 = tpu.memref_slice %arg5[%mul3A_0] : memref<20224xf32, #tpu.memory_space<hbm>> -> memref<1264xf32, #tpu.memory_space<hbm>>
      tpu.wait_dma2 semaphore(%run_scoped3A : memref<!tpu.dma_semaphore, #tpu.memory_space<semaphore_mem>>) src(%dma_wait3A_54 : memref<1264xf32, #tpu.memory_space<hbm>>) dst(%dma_wait3A_53 : memref<1264xf32, #tpu.memory_space<vmem>>)
      tpu.yield
    }) : () -> ()
    "tpu.region"() ({
      %run_scoped3A = tpu.sem_alloc : memref<!tpu.dma_semaphore, #tpu.memory_space<semaphore_mem>>
      %dma_start3A = arith.constant 0 : i32
      %dma_start3A_45 = tpu.memref_slice %arg12[%dma_start3A] : memref<1280xf32, #tpu.memory_space<vmem>> -> memref<1264xf32, #tpu.memory_space<vmem>>
      %dma_start3A_46 = tpu.memref_slice %arg6[%mul3A_0] : memref<20224xf32, #tpu.memory_space<hbm>> -> memref<1264xf32, #tpu.memory_space<hbm>>
      %dma_start3A_47 = arith.constant 0 : i32
      %dma_start3A_48 = tpu.memref_slice %arg12[%dma_start3A_47] : memref<1280xf32, #tpu.memory_space<vmem>> -> memref<1264xf32, #tpu.memory_space<vmem>>
      %dma_start3A_49 = tpu.memref_slice %arg6[%mul3A_0] : memref<20224xf32, #tpu.memory_space<hbm>> -> memref<1264xf32, #tpu.memory_space<hbm>>
      tpu.enqueue_dma source(%dma_start3A_49 : memref<1264xf32, #tpu.memory_space<hbm>>) target(%dma_start3A_48 : memref<1264xf32, #tpu.memory_space<vmem>>) target_semaphore(%run_scoped3A : memref<!tpu.dma_semaphore, #tpu.memory_space<semaphore_mem>>)
      %dma_wait3A = arith.constant 0 : i32
      %dma_wait3A_50 = tpu.memref_slice %arg12[%dma_wait3A] : memref<1280xf32, #tpu.memory_space<vmem>> -> memref<1264xf32, #tpu.memory_space<vmem>>
      %dma_wait3A_51 = tpu.memref_slice %arg6[%mul3A_0] : memref<20224xf32, #tpu.memory_space<hbm>> -> memref<1264xf32, #tpu.memory_space<hbm>>
      %dma_wait3A_52 = arith.constant 0 : i32
      %dma_wait3A_53 = tpu.memref_slice %arg12[%dma_wait3A_52] : memref<1280xf32, #tpu.memory_space<vmem>> -> memref<1264xf32, #tpu.memory_space<vmem>>
      %dma_wait3A_54 = tpu.memref_slice %arg6[%mul3A_0] : memref<20224xf32, #tpu.memory_space<hbm>> -> memref<1264xf32, #tpu.memory_space<hbm>>
      tpu.wait_dma2 semaphore(%run_scoped3A : memref<!tpu.dma_semaphore, #tpu.memory_space<semaphore_mem>>) src(%dma_wait3A_54 : memref<1264xf32, #tpu.memory_space<hbm>>) dst(%dma_wait3A_53 : memref<1264xf32, #tpu.memory_space<vmem>>)
      tpu.yield
    }) : () -> ()
    "tpu.region"() ({
      %run_scoped3A = tpu.sem_alloc : memref<!tpu.dma_semaphore, #tpu.memory_space<semaphore_mem>>
      %dma_start3A = arith.constant 0 : i32
      %dma_start3A_45 = tpu.memref_slice %arg13[%dma_start3A] : memref<1280xf32, #tpu.memory_space<vmem>> -> memref<1264xf32, #tpu.memory_space<vmem>>
      %dma_start3A_46 = tpu.memref_slice %arg6[%mul3A_0] : memref<20224xf32, #tpu.memory_space<hbm>> -> memref<1264xf32, #tpu.memory_space<hbm>>
      %dma_start3A_47 = arith.constant 0 : i32
      %dma_start3A_48 = tpu.memref_slice %arg13[%dma_start3A_47] : memref<1280xf32, #tpu.memory_space<vmem>> -> memref<1264xf32, #tpu.memory_space<vmem>>
      %dma_start3A_49 = tpu.memref_slice %arg6[%mul3A_0] : memref<20224xf32, #tpu.memory_space<hbm>> -> memref<1264xf32, #tpu.memory_space<hbm>>
      tpu.enqueue_dma source(%dma_start3A_49 : memref<1264xf32, #tpu.memory_space<hbm>>) target(%dma_start3A_48 : memref<1264xf32, #tpu.memory_space<vmem>>) target_semaphore(%run_scoped3A : memref<!tpu.dma_semaphore, #tpu.memory_space<semaphore_mem>>)
      %dma_wait3A = arith.constant 0 : i32
      %dma_wait3A_50 = tpu.memref_slice %arg13[%dma_wait3A] : memref<1280xf32, #tpu.memory_space<vmem>> -> memref<1264xf32, #tpu.memory_space<vmem>>
      %dma_wait3A_51 = tpu.memref_slice %arg6[%mul3A_0] : memref<20224xf32, #tpu.memory_space<hbm>> -> memref<1264xf32, #tpu.memory_space<hbm>>
      %dma_wait3A_52 = arith.constant 0 : i32
      %dma_wait3A_53 = tpu.memref_slice %arg13[%dma_wait3A_52] : memref<1280xf32, #tpu.memory_space<vmem>> -> memref<1264xf32, #tpu.memory_space<vmem>>
      %dma_wait3A_54 = tpu.memref_slice %arg6[%mul3A_0] : memref<20224xf32, #tpu.memory_space<hbm>> -> memref<1264xf32, #tpu.memory_space<hbm>>
      tpu.wait_dma2 semaphore(%run_scoped3A : memref<!tpu.dma_semaphore, #tpu.memory_space<semaphore_mem>>) src(%dma_wait3A_54 : memref<1264xf32, #tpu.memory_space<hbm>>) dst(%dma_wait3A_53 : memref<1264xf32, #tpu.memory_space<vmem>>)
      tpu.yield
    }) : () -> ()
    %iota3A = tpu.iota {dimensions = array<i32: 0>} : vector<16xi32>
    %broadcast_in_dim3A = arith.constant 0xFF800000 : f32
    %broadcast_in_dim3A_1 = vector.broadcast %broadcast_in_dim3A : f32 to vector<16xf32>
    %swap3A = arith.constant 1264 : index
    %swap3A_2 = tpu.vector_load %arg13[%swap3A] {strides = array<i32>} : memref<1280xf32, #tpu.memory_space<vmem>>, vector<16xf32>,
    tpu.vector_store %arg13[%swap3A], %broadcast_in_dim3A_1 {strides = array<i32>} : memref<1280xf32, #tpu.memory_space<vmem>>, vector<16xf32>,
    %eq3A = arith.constant 0 : i32
    %eq3A_3 = arith.cmpi eq, %arg0, %eq3A : i32
    %eq3A_4 = arith.constant 0 : i32
    %eq3A_5 = arith.cmpi eq, %arg1, %eq3A_4 : i32
    %and3A = arith.andi %eq3A_3, %eq3A_5 : i1
    %broadcast_in_dim3A_6 = arith.constant 0xFF800000 : f32
    %broadcast_in_dim3A_7 = vector.broadcast %broadcast_in_dim3A_6 : f32 to vector<16xf32>
    %broadcast_in_dim3A_8 = arith.constant 0 : i32
    %broadcast_in_dim3A_9 = vector.broadcast %broadcast_in_dim3A_8 : i32 to vector<16xi32>
    %parallel_loop3A = arith.constant 0 : i32
    %parallel_loop3A_10 = arith.constant 1280 : i32
    %parallel_loop3A_11 = arith.constant 16 : i32
    scf.for %parallel_loop3A_45 = %parallel_loop3A to %parallel_loop3A_10 step %parallel_loop3A_11  : i32 {
      %parallel_loop3A_46 = arith.index_cast %parallel_loop3A_45 : i32 to index
      %parallel_loop3A_47 = tpu.vector_load %arg10[%parallel_loop3A_46] {strides = array<i32>} : memref<1280xf32, #tpu.memory_space<vmem>>, vector<16xf32>,
      %parallel_loop3A_48 = arith.index_cast %parallel_loop3A_45 : i32 to index
      %parallel_loop3A_49 = tpu.vector_load %arg8[%parallel_loop3A_48] {strides = array<i32>} : memref<1280xf32, #tpu.memory_space<vmem>>, vector<16xf32>,
      %parallel_loop3A_50 = arith.subf %parallel_loop3A_47, %parallel_loop3A_49 : vector<16xf32>
      %parallel_loop3A_51 = arith.index_cast %parallel_loop3A_45 : i32 to index
      %parallel_loop3A_52 = tpu.vector_load %arg11[%parallel_loop3A_51] {strides = array<i32>} : memref<1280xf32, #tpu.memory_space<vmem>>, vector<16xf32>,
      %parallel_loop3A_53 = arith.index_cast %parallel_loop3A_45 : i32 to index
      %parallel_loop3A_54 = tpu.vector_load %arg9[%parallel_loop3A_53] {strides = array<i32>} : memref<1280xf32, #tpu.memory_space<vmem>>, vector<16xf32>,
      %parallel_loop3A_55 = arith.subf %parallel_loop3A_52, %parallel_loop3A_54 : vector<16xf32>
      %parallel_loop3A_56 = arith.mulf %parallel_loop3A_50, %parallel_loop3A_55 : vector<16xf32>
      %parallel_loop3A_57 = arith.index_cast %parallel_loop3A_45 : i32 to index
      %parallel_loop3A_58 = tpu.vector_load %arg14[%parallel_loop3A_57] {strides = array<i32>} : memref<1280xf32, #tpu.memory_space<vmem>>, vector<16xf32>,
      tpu.vector_store %arg14[%parallel_loop3A_57], %parallel_loop3A_56 {strides = array<i32>} : memref<1280xf32, #tpu.memory_space<vmem>>, vector<16xf32>,
    } {sc.loop_unroll_factor = 8 : i64, sc.parallel_access}
    %parallel_loop3A_12 = arith.constant 0 : i32
    %parallel_loop3A_13 = arith.constant 1280 : i32
    %parallel_loop3A_14 = arith.constant 16 : i32
    %parallel_loop3A_15:2 = scf.for %parallel_loop3A_45 = %parallel_loop3A_12 to %parallel_loop3A_13 step %parallel_loop3A_14 iter_args(%parallel_loop3A_46 = %broadcast_in_dim3A_7, %parallel_loop3A_47 = %broadcast_in_dim3A_9) -> (vector<16xf32>, vector<16xi32>)  : i32 {
      %parallel_loop3A_48 = arith.index_cast %parallel_loop3A_45 : i32 to index
      %parallel_loop3A_49 = tpu.vector_load %arg13[%parallel_loop3A_48] {strides = array<i32>} : memref<1280xf32, #tpu.memory_space<vmem>>, vector<16xf32>,
      %parallel_loop3A_50 = vector.broadcast %parallel_loop3A_45 : i32 to vector<16xi32>
      %parallel_loop3A_51 = arith.addi %parallel_loop3A_50, %iota3A : vector<16xi32>
      %parallel_loop3A_52 = arith.cmpf ogt, %parallel_loop3A_49, %parallel_loop3A_46 : vector<16xf32>
      %parallel_loop3A_53 = arith.select %parallel_loop3A_52, %parallel_loop3A_49, %parallel_loop3A_46 : vector<16xi1>, vector<16xf32>
      %parallel_loop3A_54 = arith.select %parallel_loop3A_52, %parallel_loop3A_51, %parallel_loop3A_47 : vector<16xi1>, vector<16xi32>
      scf.yield %parallel_loop3A_53, %parallel_loop3A_54 : vector<16xf32>, vector<16xi32>
    } {sc.loop_unroll_factor = 8 : i64, sc.parallel_access}
    %add3A = arith.constant 8 : i32
    %add3A_16 = vector.broadcast %add3A : i32 to vector<16xi32>
    %add3A_17 = arith.addi %iota3A, %add3A_16 : vector<16xi32>
    %and3A_18 = arith.constant 15 : i32
    %and3A_19 = vector.broadcast %and3A_18 : i32 to vector<16xi32>
    %and3A_20 = arith.andi %add3A_17, %and3A_19 : vector<16xi32>
    %add3A_21 = arith.constant 4 : i32
    %add3A_22 = vector.broadcast %add3A_21 : i32 to vector<16xi32>
    %add3A_23 = arith.addi %iota3A, %add3A_22 : vector<16xi32>
    %and3A_24 = arith.constant 15 : i32
    %and3A_25 = vector.broadcast %and3A_24 : i32 to vector<16xi32>
    %and3A_26 = arith.andi %add3A_23, %and3A_25 : vector<16xi32>
    %add3A_27 = arith.constant 2 : i32
    %add3A_28 = vector.broadcast %add3A_27 : i32 to vector<16xi32>
    %add3A_29 = arith.addi %iota3A, %add3A_28 : vector<16xi32>
    %and3A_30 = arith.constant 15 : i32
    %and3A_31 = vector.broadcast %and3A_30 : i32 to vector<16xi32>
    %and3A_32 = arith.andi %add3A_29, %and3A_31 : vector<16xi32>
    %add3A_33 = arith.constant 1 : i32
    %add3A_34 = vector.broadcast %add3A_33 : i32 to vector<16xi32>
    %add3A_35 = arith.addi %iota3A, %add3A_34 : vector<16xi32>
    %and3A_36 = arith.constant 15 : i32
    %and3A_37 = vector.broadcast %and3A_36 : i32 to vector<16xi32>
    %and3A_38 = arith.andi %add3A_35, %and3A_37 : vector<16xi32>
    %scan3A = arith.constant 0 : i32
    %scan3A_39 = arith.constant 100 : i32
    %scan3A_40 = arith.addi %scan3A, %scan3A_39 : i32
    %scan3A_41 = arith.constant 1 : i32
    %scan3A_42:2 = scf.for %scan3A_45 = %scan3A to %scan3A_40 step %scan3A_41 iter_args(%scan3A_46 = %parallel_loop3A_15#0, %scan3A_47 = %parallel_loop3A_15#1) -> (vector<16xf32>, vector<16xi32>)  : i32 {
      %lt3A = arith.constant 0 : i32
      %lt3A_48 = vector.broadcast %lt3A : i32 to vector<16xi32>
      %lt3A_49 = arith.cmpi slt, %and3A_20, %lt3A_48 : vector<16xi32>
      %add3A_50 = arith.constant 16 : i32
      %add3A_51 = vector.broadcast %add3A_50 : i32 to vector<16xi32>
      %add3A_52 = arith.addi %and3A_20, %add3A_51 : vector<16xi32>
      %select_n3A = arith.select %lt3A_49, %add3A_52, %and3A_20 : vector<16xi1>, vector<16xi32>
      %reshape3A = vector.shape_cast %select_n3A : vector<16xi32> to vector<16x1xi32>
      %gather3A = vector.shape_cast %reshape3A : vector<16x1xi32> to vector<16xi32>
      %gather3A_53 = tpu.dynamic_gather %scan3A_46[%gather3A] in [0] : vector<16xf32>, vector<16xi32> -> vector<16xf32>
      %lt3A_54 = arith.constant 0 : i32
      %lt3A_55 = vector.broadcast %lt3A_54 : i32 to vector<16xi32>
      %lt3A_56 = arith.cmpi slt, %and3A_20, %lt3A_55 : vector<16xi32>
      %add3A_57 = arith.constant 16 : i32
      %add3A_58 = vector.broadcast %add3A_57 : i32 to vector<16xi32>
      %add3A_59 = arith.addi %and3A_20, %add3A_58 : vector<16xi32>
      %select_n3A_60 = arith.select %lt3A_56, %add3A_59, %and3A_20 : vector<16xi1>, vector<16xi32>
      %reshape3A_61 = vector.shape_cast %select_n3A_60 : vector<16xi32> to vector<16x1xi32>
      %gather3A_62 = vector.shape_cast %reshape3A_61 : vector<16x1xi32> to vector<16xi32>
      %gather3A_63 = tpu.dynamic_gather %scan3A_47[%gather3A_62] in [0] : vector<16xi32>, vector<16xi32> -> vector<16xi32>
      %gt3A = arith.cmpf ogt, %gather3A_53, %scan3A_46 : vector<16xf32>
      %eq3A_64 = arith.cmpf oeq, %gather3A_53, %scan3A_46 : vector<16xf32>
      %lt3A_65 = arith.cmpi slt, %gather3A_63, %scan3A_47 : vector<16xi32>
      %and3A_66 = arith.andi %eq3A_64, %lt3A_65 : vector<16xi1>
      %or3A = arith.ori %gt3A, %and3A_66 : vector<16xi1>
      %select_n3A_67 = arith.select %or3A, %gather3A_53, %scan3A_46 : vector<16xi1>, vector<16xf32>
      %select_n3A_68 = arith.select %or3A, %gather3A_63, %scan3A_47 : vector<16xi1>, vector<16xi32>
      %lt3A_69 = arith.constant 0 : i32
      %lt3A_70 = vector.broadcast %lt3A_69 : i32 to vector<16xi32>
      %lt3A_71 = arith.cmpi slt, %and3A_26, %lt3A_70 : vector<16xi32>
      %add3A_72 = arith.constant 16 : i32
      %add3A_73 = vector.broadcast %add3A_72 : i32 to vector<16xi32>
      %add3A_74 = arith.addi %and3A_26, %add3A_73 : vector<16xi32>
      %select_n3A_75 = arith.select %lt3A_71, %add3A_74, %and3A_26 : vector<16xi1>, vector<16xi32>
      %reshape3A_76 = vector.shape_cast %select_n3A_75 : vector<16xi32> to vector<16x1xi32>
      %gather3A_77 = vector.shape_cast %reshape3A_76 : vector<16x1xi32> to vector<16xi32>
      %gather3A_78 = tpu.dynamic_gather %select_n3A_67[%gather3A_77] in [0] : vector<16xf32>, vector<16xi32> -> vector<16xf32>
      %lt3A_79 = arith.constant 0 : i32
      %lt3A_80 = vector.broadcast %lt3A_79 : i32 to vector<16xi32>
      %lt3A_81 = arith.cmpi slt, %and3A_26, %lt3A_80 : vector<16xi32>
      %add3A_82 = arith.constant 16 : i32
      %add3A_83 = vector.broadcast %add3A_82 : i32 to vector<16xi32>
      %add3A_84 = arith.addi %and3A_26, %add3A_83 : vector<16xi32>
      %select_n3A_85 = arith.select %lt3A_81, %add3A_84, %and3A_26 : vector<16xi1>, vector<16xi32>
      %reshape3A_86 = vector.shape_cast %select_n3A_85 : vector<16xi32> to vector<16x1xi32>
      %gather3A_87 = vector.shape_cast %reshape3A_86 : vector<16x1xi32> to vector<16xi32>
      %gather3A_88 = tpu.dynamic_gather %select_n3A_68[%gather3A_87] in [0] : vector<16xi32>, vector<16xi32> -> vector<16xi32>
      %gt3A_89 = arith.cmpf ogt, %gather3A_78, %select_n3A_67 : vector<16xf32>
      %eq3A_90 = arith.cmpf oeq, %gather3A_78, %select_n3A_67 : vector<16xf32>
      %lt3A_91 = arith.cmpi slt, %gather3A_88, %select_n3A_68 : vector<16xi32>
      %and3A_92 = arith.andi %eq3A_90, %lt3A_91 : vector<16xi1>
      %or3A_93 = arith.ori %gt3A_89, %and3A_92 : vector<16xi1>
      %select_n3A_94 = arith.select %or3A_93, %gather3A_78, %select_n3A_67 : vector<16xi1>, vector<16xf32>
      %select_n3A_95 = arith.select %or3A_93, %gather3A_88, %select_n3A_68 : vector<16xi1>, vector<16xi32>
      %lt3A_96 = arith.constant 0 : i32
      %lt3A_97 = vector.broadcast %lt3A_96 : i32 to vector<16xi32>
      %lt3A_98 = arith.cmpi slt, %and3A_32, %lt3A_97 : vector<16xi32>
      %add3A_99 = arith.constant 16 : i32
      %add3A_100 = vector.broadcast %add3A_99 : i32 to vector<16xi32>
      %add3A_101 = arith.addi %and3A_32, %add3A_100 : vector<16xi32>
      %select_n3A_102 = arith.select %lt3A_98, %add3A_101, %and3A_32 : vector<16xi1>, vector<16xi32>
      %reshape3A_103 = vector.shape_cast %select_n3A_102 : vector<16xi32> to vector<16x1xi32>
      %gather3A_104 = vector.shape_cast %reshape3A_103 : vector<16x1xi32> to vector<16xi32>
      %gather3A_105 = tpu.dynamic_gather %select_n3A_94[%gather3A_104] in [0] : vector<16xf32>, vector<16xi32> -> vector<16xf32>
      %lt3A_106 = arith.constant 0 : i32
      %lt3A_107 = vector.broadcast %lt3A_106 : i32 to vector<16xi32>
      %lt3A_108 = arith.cmpi slt, %and3A_32, %lt3A_107 : vector<16xi32>
      %add3A_109 = arith.constant 16 : i32
      %add3A_110 = vector.broadcast %add3A_109 : i32 to vector<16xi32>
      %add3A_111 = arith.addi %and3A_32, %add3A_110 : vector<16xi32>
      %select_n3A_112 = arith.select %lt3A_108, %add3A_111, %and3A_32 : vector<16xi1>, vector<16xi32>
      %reshape3A_113 = vector.shape_cast %select_n3A_112 : vector<16xi32> to vector<16x1xi32>
      %gather3A_114 = vector.shape_cast %reshape3A_113 : vector<16x1xi32> to vector<16xi32>
      %gather3A_115 = tpu.dynamic_gather %select_n3A_95[%gather3A_114] in [0] : vector<16xi32>, vector<16xi32> -> vector<16xi32>
      %gt3A_116 = arith.cmpf ogt, %gather3A_105, %select_n3A_94 : vector<16xf32>
      %eq3A_117 = arith.cmpf oeq, %gather3A_105, %select_n3A_94 : vector<16xf32>
      %lt3A_118 = arith.cmpi slt, %gather3A_115, %select_n3A_95 : vector<16xi32>
      %and3A_119 = arith.andi %eq3A_117, %lt3A_118 : vector<16xi1>
      %or3A_120 = arith.ori %gt3A_116, %and3A_119 : vector<16xi1>
      %select_n3A_121 = arith.select %or3A_120, %gather3A_105, %select_n3A_94 : vector<16xi1>, vector<16xf32>
      %select_n3A_122 = arith.select %or3A_120, %gather3A_115, %select_n3A_95 : vector<16xi1>, vector<16xi32>
      %lt3A_123 = arith.constant 0 : i32
      %lt3A_124 = vector.broadcast %lt3A_123 : i32 to vector<16xi32>
      %lt3A_125 = arith.cmpi slt, %and3A_38, %lt3A_124 : vector<16xi32>
      %add3A_126 = arith.constant 16 : i32
      %add3A_127 = vector.broadcast %add3A_126 : i32 to vector<16xi32>
      %add3A_128 = arith.addi %and3A_38, %add3A_127 : vector<16xi32>
      %select_n3A_129 = arith.select %lt3A_125, %add3A_128, %and3A_38 : vector<16xi1>, vector<16xi32>
      %reshape3A_130 = vector.shape_cast %select_n3A_129 : vector<16xi32> to vector<16x1xi32>
      %gather3A_131 = vector.shape_cast %reshape3A_130 : vector<16x1xi32> to vector<16xi32>
      %gather3A_132 = tpu.dynamic_gather %select_n3A_121[%gather3A_131] in [0] : vector<16xf32>, vector<16xi32> -> vector<16xf32>
      %lt3A_133 = arith.constant 0 : i32
      %lt3A_134 = vector.broadcast %lt3A_133 : i32 to vector<16xi32>
      %lt3A_135 = arith.cmpi slt, %and3A_38, %lt3A_134 : vector<16xi32>
      %add3A_136 = arith.constant 16 : i32
      %add3A_137 = vector.broadcast %add3A_136 : i32 to vector<16xi32>
      %add3A_138 = arith.addi %and3A_38, %add3A_137 : vector<16xi32>
      %select_n3A_139 = arith.select %lt3A_135, %add3A_138, %and3A_38 : vector<16xi1>, vector<16xi32>
      %reshape3A_140 = vector.shape_cast %select_n3A_139 : vector<16xi32> to vector<16x1xi32>
      %gather3A_141 = vector.shape_cast %reshape3A_140 : vector<16x1xi32> to vector<16xi32>
      %gather3A_142 = tpu.dynamic_gather %select_n3A_122[%gather3A_141] in [0] : vector<16xi32>, vector<16xi32> -> vector<16xi32>
      %gt3A_143 = arith.cmpf ogt, %gather3A_132, %select_n3A_121 : vector<16xf32>
      %eq3A_144 = arith.cmpf oeq, %gather3A_132, %select_n3A_121 : vector<16xf32>
      %lt3A_145 = arith.cmpi slt, %gather3A_142, %select_n3A_122 : vector<16xi32>
      %and3A_146 = arith.andi %eq3A_144, %lt3A_145 : vector<16xi1>
      %or3A_147 = arith.ori %gt3A_143, %and3A_146 : vector<16xi1>
      %select_n3A_148 = arith.select %or3A_147, %gather3A_132, %select_n3A_121 : vector<16xi1>, vector<16xf32>
      %select_n3A_149 = arith.select %or3A_147, %gather3A_142, %select_n3A_122 : vector<16xi1>, vector<16xi32>
      %slice3A = vector.extract_strided_slice %select_n3A_148 {offsets = [0], sizes = [1], strides = [1]} : vector<16xf32> to vector<1xf32>
      %squeeze3A = vector.extract %slice3A[0] : f32 from vector<1xf32>
      %slice3A_150 = vector.extract_strided_slice %select_n3A_149 {offsets = [0], sizes = [1], strides = [1]} : vector<16xi32> to vector<1xi32>
      %squeeze3A_151 = vector.extract %slice3A_150[0] : i32 from vector<1xi32>
      %get3A = arith.index_cast %squeeze3A_151 : i32 to index
      %get3A_152 = tpu.vector_load %arg8[%get3A] {strides = array<i32>} : memref<1280xf32, #tpu.memory_space<vmem>>, vector<16xf32>,
      %get3A_153 = arith.index_cast %squeeze3A_151 : i32 to index
      %get3A_154 = tpu.vector_load %arg9[%get3A_153] {strides = array<i32>} : memref<1280xf32, #tpu.memory_space<vmem>>, vector<16xf32>,
      %get3A_155 = arith.index_cast %squeeze3A_151 : i32 to index
      %get3A_156 = tpu.vector_load %arg10[%get3A_155] {strides = array<i32>} : memref<1280xf32, #tpu.memory_space<vmem>>, vector<16xf32>,
      %get3A_157 = arith.index_cast %squeeze3A_151 : i32 to index
      %get3A_158 = tpu.vector_load %arg11[%get3A_157] {strides = array<i32>} : memref<1280xf32, #tpu.memory_space<vmem>>, vector<16xf32>,
      %get3A_159 = arith.index_cast %squeeze3A_151 : i32 to index
      %get3A_160 = tpu.vector_load %arg12[%get3A_159] {strides = array<i32>} : memref<1280xf32, #tpu.memory_space<vmem>>, vector<16xf32>,
      %eq3A_161 = arith.constant 0 : i32
      %eq3A_162 = vector.broadcast %eq3A_161 : i32 to vector<16xi32>
      %eq3A_163 = arith.cmpi eq, %iota3A, %eq3A_162 : vector<16xi32>
      %eq3A_164 = arith.constant 1 : i32
      %eq3A_165 = vector.broadcast %eq3A_164 : i32 to vector<16xi32>
      %eq3A_166 = arith.cmpi eq, %iota3A, %eq3A_165 : vector<16xi32>
      %slice3A_167 = vector.extract_strided_slice %get3A_152 {offsets = [0], sizes = [1], strides = [1]} : vector<16xf32> to vector<1xf32>
      %squeeze3A_168 = vector.extract %slice3A_167[0] : f32 from vector<1xf32>
      %eq3A_169 = arith.constant 2 : i32
      %eq3A_170 = vector.broadcast %eq3A_169 : i32 to vector<16xi32>
      %eq3A_171 = arith.cmpi eq, %iota3A, %eq3A_170 : vector<16xi32>
      %slice3A_172 = vector.extract_strided_slice %get3A_154 {offsets = [0], sizes = [1], strides = [1]} : vector<16xf32> to vector<1xf32>
      %squeeze3A_173 = vector.extract %slice3A_172[0] : f32 from vector<1xf32>
      %eq3A_174 = arith.constant 3 : i32
      %eq3A_175 = vector.broadcast %eq3A_174 : i32 to vector<16xi32>
      %eq3A_176 = arith.cmpi eq, %iota3A, %eq3A_175 : vector<16xi32>
      %slice3A_177 = vector.extract_strided_slice %get3A_156 {offsets = [0], sizes = [1], strides = [1]} : vector<16xf32> to vector<1xf32>
      %squeeze3A_178 = vector.extract %slice3A_177[0] : f32 from vector<1xf32>
      %eq3A_179 = arith.constant 4 : i32
      %eq3A_180 = vector.broadcast %eq3A_179 : i32 to vector<16xi32>
      %eq3A_181 = arith.cmpi eq, %iota3A, %eq3A_180 : vector<16xi32>
      %slice3A_182 = vector.extract_strided_slice %get3A_158 {offsets = [0], sizes = [1], strides = [1]} : vector<16xf32> to vector<1xf32>
      %squeeze3A_183 = vector.extract %slice3A_182[0] : f32 from vector<1xf32>
      %eq3A_184 = arith.constant 5 : i32
      %eq3A_185 = vector.broadcast %eq3A_184 : i32 to vector<16xi32>
      %eq3A_186 = arith.cmpi eq, %iota3A, %eq3A_185 : vector<16xi32>
      %slice3A_187 = vector.extract_strided_slice %get3A_160 {offsets = [0], sizes = [1], strides = [1]} : vector<16xf32> to vector<1xf32>
      %squeeze3A_188 = vector.extract %slice3A_187[0] : f32 from vector<1xf32>
      %jit3A = arith.constant 0.000000e+00 : f32
      %broadcast_in_dim3A_189 = vector.broadcast %squeeze3A_188 : f32 to vector<16xf32>
      %broadcast_in_dim3A_190 = vector.broadcast %jit3A : f32 to vector<16xf32>
      %select_n3A_191 = arith.select %eq3A_186, %broadcast_in_dim3A_189, %broadcast_in_dim3A_190 : vector<16xi1>, vector<16xf32>
      %broadcast_in_dim3A_192 = vector.broadcast %squeeze3A_183 : f32 to vector<16xf32>
      %select_n3A_193 = arith.select %eq3A_181, %broadcast_in_dim3A_192, %select_n3A_191 : vector<16xi1>, vector<16xf32>
      %broadcast_in_dim3A_194 = vector.broadcast %squeeze3A_178 : f32 to vector<16xf32>
      %select_n3A_195 = arith.select %eq3A_176, %broadcast_in_dim3A_194, %select_n3A_193 : vector<16xi1>, vector<16xf32>
      %broadcast_in_dim3A_196 = vector.broadcast %squeeze3A_173 : f32 to vector<16xf32>
      %select_n3A_197 = arith.select %eq3A_171, %broadcast_in_dim3A_196, %select_n3A_195 : vector<16xi1>, vector<16xf32>
      %broadcast_in_dim3A_198 = vector.broadcast %squeeze3A_168 : f32 to vector<16xf32>
      %select_n3A_199 = arith.select %eq3A_166, %broadcast_in_dim3A_198, %select_n3A_197 : vector<16xi1>, vector<16xf32>
      %broadcast_in_dim3A_200 = vector.broadcast %squeeze3A : f32 to vector<16xf32>
      %select_n3A_201 = arith.select %eq3A_163, %broadcast_in_dim3A_200, %select_n3A_199 : vector<16xi1>, vector<16xf32>
      %swap3A_202 = arith.constant 0 : index
      %swap3A_203 = tpu.vector_load %arg15[%swap3A_202] {strides = array<i32>} : memref<16xf32, #tpu.memory_space<vmem>>, vector<16xf32>,
      tpu.vector_store %arg15[%swap3A_202], %select_n3A_201 {strides = array<i32>} : memref<16xf32, #tpu.memory_space<vmem>>, vector<16xf32>,
      %and3A_204 = arith.constant 1 : i32
      %and3A_205 = arith.andi %scan3A_45, %and3A_204 : i32
      %mul3A_206 = arith.constant 256 : i32
      %mul3A_207 = arith.muli %and3A_205, %mul3A_206 : i32
      %mul3A_208 = arith.constant 16 : i32
      %mul3A_209 = arith.muli %arg1, %mul3A_208 : i32
      %add3A_210 = arith.addi %mul3A_207, %mul3A_209 : i32
      "tpu.region"() ({
        %run_scoped3A = tpu.sem_alloc : memref<!tpu.dma_semaphore, #tpu.memory_space<semaphore_mem>>
        %dma_start3A = tpu.memref_slice %arg18[%add3A_210] : memref<512xf32, #tpu.memory_space<vmem_shared>> -> memref<16xf32, #tpu.memory_space<vmem_shared>>
        %dma_start3A_350 = tpu.memref_slice %arg18[%add3A_210] : memref<512xf32, #tpu.memory_space<vmem_shared>> -> memref<16xf32, #tpu.memory_space<vmem_shared>>
        tpu.enqueue_dma source(%arg15 : memref<16xf32, #tpu.memory_space<vmem>>) target(%dma_start3A_350 : memref<16xf32, #tpu.memory_space<vmem_shared>>) target_semaphore(%run_scoped3A : memref<!tpu.dma_semaphore, #tpu.memory_space<semaphore_mem>>)
        %dma_wait3A = tpu.memref_slice %arg18[%add3A_210] : memref<512xf32, #tpu.memory_space<vmem_shared>> -> memref<16xf32, #tpu.memory_space<vmem_shared>>
        %dma_wait3A_351 = tpu.memref_slice %arg18[%add3A_210] : memref<512xf32, #tpu.memory_space<vmem_shared>> -> memref<16xf32, #tpu.memory_space<vmem_shared>>
        tpu.wait_dma2 semaphore(%run_scoped3A : memref<!tpu.dma_semaphore, #tpu.memory_space<semaphore_mem>>) src(%arg15 : memref<16xf32, #tpu.memory_space<vmem>>) dst(%dma_wait3A_351 : memref<16xf32, #tpu.memory_space<vmem_shared>>)
        tpu.yield
      }) : () -> ()
      %barrier3A = arith.constant 0 : index
      tpu.barrier barrier_id(%barrier3A)
      "tpu.region"() ({
        %run_scoped3A = tpu.sem_alloc : memref<!tpu.dma_semaphore, #tpu.memory_space<semaphore_mem>>
        %dma_start3A = arith.constant 0 : i32
        %dma_start3A_350 = tpu.memref_slice %arg16[%dma_start3A] : memref<272xf32, #tpu.memory_space<vmem>> -> memref<256xf32, #tpu.memory_space<vmem>>
        %dma_start3A_351 = tpu.memref_slice %arg18[%mul3A_207] : memref<512xf32, #tpu.memory_space<vmem_shared>> -> memref<256xf32, #tpu.memory_space<vmem_shared>>
        %dma_start3A_352 = arith.constant 0 : i32
        %dma_start3A_353 = tpu.memref_slice %arg16[%dma_start3A_352] : memref<272xf32, #tpu.memory_space<vmem>> -> memref<256xf32, #tpu.memory_space<vmem>>
        %dma_start3A_354 = tpu.memref_slice %arg18[%mul3A_207] : memref<512xf32, #tpu.memory_space<vmem_shared>> -> memref<256xf32, #tpu.memory_space<vmem_shared>>
        tpu.enqueue_dma source(%dma_start3A_354 : memref<256xf32, #tpu.memory_space<vmem_shared>>) target(%dma_start3A_353 : memref<256xf32, #tpu.memory_space<vmem>>) target_semaphore(%run_scoped3A : memref<!tpu.dma_semaphore, #tpu.memory_space<semaphore_mem>>)
        %dma_wait3A = arith.constant 0 : i32
        %dma_wait3A_355 = tpu.memref_slice %arg16[%dma_wait3A] : memref<272xf32, #tpu.memory_space<vmem>> -> memref<256xf32, #tpu.memory_space<vmem>>
        %dma_wait3A_356 = tpu.memref_slice %arg18[%mul3A_207] : memref<512xf32, #tpu.memory_space<vmem_shared>> -> memref<256xf32, #tpu.memory_space<vmem_shared>>
        %dma_wait3A_357 = arith.constant 0 : i32
        %dma_wait3A_358 = tpu.memref_slice %arg16[%dma_wait3A_357] : memref<272xf32, #tpu.memory_space<vmem>> -> memref<256xf32, #tpu.memory_space<vmem>>
        %dma_wait3A_359 = tpu.memref_slice %arg18[%mul3A_207] : memref<512xf32, #tpu.memory_space<vmem_shared>> -> memref<256xf32, #tpu.memory_space<vmem_shared>>
        tpu.wait_dma2 semaphore(%run_scoped3A : memref<!tpu.dma_semaphore, #tpu.memory_space<semaphore_mem>>) src(%dma_wait3A_359 : memref<256xf32, #tpu.memory_space<vmem_shared>>) dst(%dma_wait3A_358 : memref<256xf32, #tpu.memory_space<vmem>>)
        tpu.yield
      }) : () -> ()
      %mul3A_211 = arith.constant 16 : i32
      %mul3A_212 = vector.broadcast %mul3A_211 : i32 to vector<16xi32>
      %mul3A_213 = arith.muli %iota3A, %mul3A_212 : vector<16xi32>
      %gather3A_214 = tpu.vector_load_idx %arg16[%mul3A_213] : memref<272xf32, #tpu.memory_space<vmem>>[vector<16xi32>], vector<16xf32>,
      %lt3A_215 = arith.constant 0 : i32
      %lt3A_216 = vector.broadcast %lt3A_215 : i32 to vector<16xi32>
      %lt3A_217 = arith.cmpi slt, %and3A_20, %lt3A_216 : vector<16xi32>
      %add3A_218 = arith.constant 16 : i32
      %add3A_219 = vector.broadcast %add3A_218 : i32 to vector<16xi32>
      %add3A_220 = arith.addi %and3A_20, %add3A_219 : vector<16xi32>
      %select_n3A_221 = arith.select %lt3A_217, %add3A_220, %and3A_20 : vector<16xi1>, vector<16xi32>
      %reshape3A_222 = vector.shape_cast %select_n3A_221 : vector<16xi32> to vector<16x1xi32>
      %gather3A_223 = vector.shape_cast %reshape3A_222 : vector<16x1xi32> to vector<16xi32>
      %gather3A_224 = tpu.dynamic_gather %gather3A_214[%gather3A_223] in [0] : vector<16xf32>, vector<16xi32> -> vector<16xf32>
      %lt3A_225 = arith.constant 0 : i32
      %lt3A_226 = vector.broadcast %lt3A_225 : i32 to vector<16xi32>
      %lt3A_227 = arith.cmpi slt, %and3A_20, %lt3A_226 : vector<16xi32>
      %add3A_228 = arith.constant 16 : i32
      %add3A_229 = vector.broadcast %add3A_228 : i32 to vector<16xi32>
      %add3A_230 = arith.addi %and3A_20, %add3A_229 : vector<16xi32>
      %select_n3A_231 = arith.select %lt3A_227, %add3A_230, %and3A_20 : vector<16xi1>, vector<16xi32>
      %reshape3A_232 = vector.shape_cast %select_n3A_231 : vector<16xi32> to vector<16x1xi32>
      %gather3A_233 = vector.shape_cast %reshape3A_232 : vector<16x1xi32> to vector<16xi32>
      %gather3A_234 = tpu.dynamic_gather %iota3A[%gather3A_233] in [0] : vector<16xi32>, vector<16xi32> -> vector<16xi32>
      %gt3A_235 = arith.cmpf ogt, %gather3A_224, %gather3A_214 : vector<16xf32>
      %eq3A_236 = arith.cmpf oeq, %gather3A_224, %gather3A_214 : vector<16xf32>
      %lt3A_237 = arith.cmpi slt, %gather3A_234, %iota3A : vector<16xi32>
      %and3A_238 = arith.andi %eq3A_236, %lt3A_237 : vector<16xi1>
      %or3A_239 = arith.ori %gt3A_235, %and3A_238 : vector<16xi1>
      %select_n3A_240 = arith.select %or3A_239, %gather3A_224, %gather3A_214 : vector<16xi1>, vector<16xf32>
      %select_n3A_241 = arith.select %or3A_239, %gather3A_234, %iota3A : vector<16xi1>, vector<16xi32>
      %lt3A_242 = arith.constant 0 : i32
      %lt3A_243 = vector.broadcast %lt3A_242 : i32 to vector<16xi32>
      %lt3A_244 = arith.cmpi slt, %and3A_26, %lt3A_243 : vector<16xi32>
      %add3A_245 = arith.constant 16 : i32
      %add3A_246 = vector.broadcast %add3A_245 : i32 to vector<16xi32>
      %add3A_247 = arith.addi %and3A_26, %add3A_246 : vector<16xi32>
      %select_n3A_248 = arith.select %lt3A_244, %add3A_247, %and3A_26 : vector<16xi1>, vector<16xi32>
      %reshape3A_249 = vector.shape_cast %select_n3A_248 : vector<16xi32> to vector<16x1xi32>
      %gather3A_250 = vector.shape_cast %reshape3A_249 : vector<16x1xi32> to vector<16xi32>
      %gather3A_251 = tpu.dynamic_gather %select_n3A_240[%gather3A_250] in [0] : vector<16xf32>, vector<16xi32> -> vector<16xf32>
      %lt3A_252 = arith.constant 0 : i32
      %lt3A_253 = vector.broadcast %lt3A_252 : i32 to vector<16xi32>
      %lt3A_254 = arith.cmpi slt, %and3A_26, %lt3A_253 : vector<16xi32>
      %add3A_255 = arith.constant 16 : i32
      %add3A_256 = vector.broadcast %add3A_255 : i32 to vector<16xi32>
      %add3A_257 = arith.addi %and3A_26, %add3A_256 : vector<16xi32>
      %select_n3A_258 = arith.select %lt3A_254, %add3A_257, %and3A_26 : vector<16xi1>, vector<16xi32>
      %reshape3A_259 = vector.shape_cast %select_n3A_258 : vector<16xi32> to vector<16x1xi32>
      %gather3A_260 = vector.shape_cast %reshape3A_259 : vector<16x1xi32> to vector<16xi32>
      %gather3A_261 = tpu.dynamic_gather %select_n3A_241[%gather3A_260] in [0] : vector<16xi32>, vector<16xi32> -> vector<16xi32>
      %gt3A_262 = arith.cmpf ogt, %gather3A_251, %select_n3A_240 : vector<16xf32>
      %eq3A_263 = arith.cmpf oeq, %gather3A_251, %select_n3A_240 : vector<16xf32>
      %lt3A_264 = arith.cmpi slt, %gather3A_261, %select_n3A_241 : vector<16xi32>
      %and3A_265 = arith.andi %eq3A_263, %lt3A_264 : vector<16xi1>
      %or3A_266 = arith.ori %gt3A_262, %and3A_265 : vector<16xi1>
      %select_n3A_267 = arith.select %or3A_266, %gather3A_251, %select_n3A_240 : vector<16xi1>, vector<16xf32>
      %select_n3A_268 = arith.select %or3A_266, %gather3A_261, %select_n3A_241 : vector<16xi1>, vector<16xi32>
      %lt3A_269 = arith.constant 0 : i32
      %lt3A_270 = vector.broadcast %lt3A_269 : i32 to vector<16xi32>
      %lt3A_271 = arith.cmpi slt, %and3A_32, %lt3A_270 : vector<16xi32>
      %add3A_272 = arith.constant 16 : i32
      %add3A_273 = vector.broadcast %add3A_272 : i32 to vector<16xi32>
      %add3A_274 = arith.addi %and3A_32, %add3A_273 : vector<16xi32>
      %select_n3A_275 = arith.select %lt3A_271, %add3A_274, %and3A_32 : vector<16xi1>, vector<16xi32>
      %reshape3A_276 = vector.shape_cast %select_n3A_275 : vector<16xi32> to vector<16x1xi32>
      %gather3A_277 = vector.shape_cast %reshape3A_276 : vector<16x1xi32> to vector<16xi32>
      %gather3A_278 = tpu.dynamic_gather %select_n3A_267[%gather3A_277] in [0] : vector<16xf32>, vector<16xi32> -> vector<16xf32>
      %lt3A_279 = arith.constant 0 : i32
      %lt3A_280 = vector.broadcast %lt3A_279 : i32 to vector<16xi32>
      %lt3A_281 = arith.cmpi slt, %and3A_32, %lt3A_280 : vector<16xi32>
      %add3A_282 = arith.constant 16 : i32
      %add3A_283 = vector.broadcast %add3A_282 : i32 to vector<16xi32>
      %add3A_284 = arith.addi %and3A_32, %add3A_283 : vector<16xi32>
      %select_n3A_285 = arith.select %lt3A_281, %add3A_284, %and3A_32 : vector<16xi1>, vector<16xi32>
      %reshape3A_286 = vector.shape_cast %select_n3A_285 : vector<16xi32> to vector<16x1xi32>
      %gather3A_287 = vector.shape_cast %reshape3A_286 : vector<16x1xi32> to vector<16xi32>
      %gather3A_288 = tpu.dynamic_gather %select_n3A_268[%gather3A_287] in [0] : vector<16xi32>, vector<16xi32> -> vector<16xi32>
      %gt3A_289 = arith.cmpf ogt, %gather3A_278, %select_n3A_267 : vector<16xf32>
      %eq3A_290 = arith.cmpf oeq, %gather3A_278, %select_n3A_267 : vector<16xf32>
      %lt3A_291 = arith.cmpi slt, %gather3A_288, %select_n3A_268 : vector<16xi32>
      %and3A_292 = arith.andi %eq3A_290, %lt3A_291 : vector<16xi1>
      %or3A_293 = arith.ori %gt3A_289, %and3A_292 : vector<16xi1>
      %select_n3A_294 = arith.select %or3A_293, %gather3A_278, %select_n3A_267 : vector<16xi1>, vector<16xf32>
      %select_n3A_295 = arith.select %or3A_293, %gather3A_288, %select_n3A_268 : vector<16xi1>, vector<16xi32>
      %lt3A_296 = arith.constant 0 : i32
      %lt3A_297 = vector.broadcast %lt3A_296 : i32 to vector<16xi32>
      %lt3A_298 = arith.cmpi slt, %and3A_38, %lt3A_297 : vector<16xi32>
      %add3A_299 = arith.constant 16 : i32
      %add3A_300 = vector.broadcast %add3A_299 : i32 to vector<16xi32>
      %add3A_301 = arith.addi %and3A_38, %add3A_300 : vector<16xi32>
      %select_n3A_302 = arith.select %lt3A_298, %add3A_301, %and3A_38 : vector<16xi1>, vector<16xi32>
      %reshape3A_303 = vector.shape_cast %select_n3A_302 : vector<16xi32> to vector<16x1xi32>
      %gather3A_304 = vector.shape_cast %reshape3A_303 : vector<16x1xi32> to vector<16xi32>
      %gather3A_305 = tpu.dynamic_gather %select_n3A_294[%gather3A_304] in [0] : vector<16xf32>, vector<16xi32> -> vector<16xf32>
      %lt3A_306 = arith.constant 0 : i32
      %lt3A_307 = vector.broadcast %lt3A_306 : i32 to vector<16xi32>
      %lt3A_308 = arith.cmpi slt, %and3A_38, %lt3A_307 : vector<16xi32>
      %add3A_309 = arith.constant 16 : i32
      %add3A_310 = vector.broadcast %add3A_309 : i32 to vector<16xi32>
      %add3A_311 = arith.addi %and3A_38, %add3A_310 : vector<16xi32>
      %select_n3A_312 = arith.select %lt3A_308, %add3A_311, %and3A_38 : vector<16xi1>, vector<16xi32>
      %reshape3A_313 = vector.shape_cast %select_n3A_312 : vector<16xi32> to vector<16x1xi32>
      %gather3A_314 = vector.shape_cast %reshape3A_313 : vector<16x1xi32> to vector<16xi32>
      %gather3A_315 = tpu.dynamic_gather %select_n3A_295[%gather3A_314] in [0] : vector<16xi32>, vector<16xi32> -> vector<16xi32>
      %gt3A_316 = arith.cmpf ogt, %gather3A_305, %select_n3A_294 : vector<16xf32>
      %eq3A_317 = arith.cmpf oeq, %gather3A_305, %select_n3A_294 : vector<16xf32>
      %lt3A_318 = arith.cmpi slt, %gather3A_315, %select_n3A_295 : vector<16xi32>
      %and3A_319 = arith.andi %eq3A_317, %lt3A_318 : vector<16xi1>
      %or3A_320 = arith.ori %gt3A_316, %and3A_319 : vector<16xi1>
      %select_n3A_321 = arith.select %or3A_320, %gather3A_305, %select_n3A_294 : vector<16xi1>, vector<16xf32>
      %select_n3A_322 = arith.select %or3A_320, %gather3A_315, %select_n3A_295 : vector<16xi1>, vector<16xi32>
      %slice3A_323 = vector.extract_strided_slice %select_n3A_322 {offsets = [0], sizes = [1], strides = [1]} : vector<16xi32> to vector<1xi32>
      %squeeze3A_324 = vector.extract %slice3A_323[0] : i32 from vector<1xi32>
      %mul3A_325 = arith.constant 16 : i32
      %mul3A_326 = arith.muli %squeeze3A_324, %mul3A_325 : i32
      %get3A_327 = arith.index_cast %mul3A_326 : i32 to index
      %get3A_328 = tpu.vector_load %arg16[%get3A_327] {strides = array<i32>} : memref<272xf32, #tpu.memory_space<vmem>>, vector<16xf32>,
      %slice3A_329 = vector.extract_strided_slice %get3A_328 {offsets = [1], sizes = [1], strides = [1]} : vector<16xf32> to vector<1xf32>
      %squeeze3A_330 = vector.extract %slice3A_329[0] : f32 from vector<1xf32>
      %broadcast_in_dim3A_331 = vector.broadcast %squeeze3A_330 : f32 to vector<16xf32>
      %slice3A_332 = vector.extract_strided_slice %get3A_328 {offsets = [2], sizes = [1], strides = [1]} : vector<16xf32> to vector<1xf32>
      %squeeze3A_333 = vector.extract %slice3A_332[0] : f32 from vector<1xf32>
      %broadcast_in_dim3A_334 = vector.broadcast %squeeze3A_333 : f32 to vector<16xf32>
      %slice3A_335 = vector.extract_strided_slice %get3A_328 {offsets = [3], sizes = [1], strides = [1]} : vector<16xf32> to vector<1xf32>
      %squeeze3A_336 = vector.extract %slice3A_335[0] : f32 from vector<1xf32>
      %broadcast_in_dim3A_337 = vector.broadcast %squeeze3A_336 : f32 to vector<16xf32>
      %slice3A_338 = vector.extract_strided_slice %get3A_328 {offsets = [4], sizes = [1], strides = [1]} : vector<16xf32> to vector<1xf32>
      %squeeze3A_339 = vector.extract %slice3A_338[0] : f32 from vector<1xf32>
      %broadcast_in_dim3A_340 = vector.broadcast %squeeze3A_339 : f32 to vector<16xf32>
      %sub3A = arith.subf %broadcast_in_dim3A_337, %broadcast_in_dim3A_331 : vector<16xf32>
      %sub3A_341 = arith.subf %broadcast_in_dim3A_340, %broadcast_in_dim3A_334 : vector<16xf32>
      %mul3A_342 = arith.mulf %sub3A, %sub3A_341 : vector<16xf32>
      %convert_element_type3A_343 = arith.extui %and3A : i1 to i32
      %cond3A_344 = arith.constant 0 : i32
      %cond3A_345 = arith.cmpi ne, %convert_element_type3A_343, %cond3A_344 : i32
      scf.if %cond3A_345 {
        %eq3A_350 = arith.constant 0 : i32
        %eq3A_351 = vector.broadcast %eq3A_350 : i32 to vector<16xi32>
        %eq3A_352 = arith.cmpi eq, %iota3A, %eq3A_351 : vector<16xi32>
        %eq3A_353 = arith.constant 1 : i32
        %eq3A_354 = vector.broadcast %eq3A_353 : i32 to vector<16xi32>
        %eq3A_355 = arith.cmpi eq, %iota3A, %eq3A_354 : vector<16xi32>
        %eq3A_356 = arith.constant 2 : i32
        %eq3A_357 = vector.broadcast %eq3A_356 : i32 to vector<16xi32>
        %eq3A_358 = arith.cmpi eq, %iota3A, %eq3A_357 : vector<16xi32>
        %eq3A_359 = arith.constant 3 : i32
        %eq3A_360 = vector.broadcast %eq3A_359 : i32 to vector<16xi32>
        %eq3A_361 = arith.cmpi eq, %iota3A, %eq3A_360 : vector<16xi32>
        %eq3A_362 = arith.constant 4 : i32
        %eq3A_363 = vector.broadcast %eq3A_362 : i32 to vector<16xi32>
        %eq3A_364 = arith.cmpi eq, %iota3A, %eq3A_363 : vector<16xi32>
        %slice3A_365 = vector.extract_strided_slice %get3A_328 {offsets = [5], sizes = [1], strides = [1]} : vector<16xf32> to vector<1xf32>
        %squeeze3A_366 = vector.extract %slice3A_365[0] : f32 from vector<1xf32>
        %broadcast_in_dim3A_367 = vector.broadcast %squeeze3A_366 : f32 to vector<16xf32>
        %jit3A_368 = arith.constant 0.000000e+00 : f32
        %broadcast_in_dim3A_369 = vector.broadcast %jit3A_368 : f32 to vector<16xf32>
        %select_n3A_370 = arith.select %eq3A_364, %broadcast_in_dim3A_367, %broadcast_in_dim3A_369 : vector<16xi1>, vector<16xf32>
        %select_n3A_371 = arith.select %eq3A_361, %broadcast_in_dim3A_340, %select_n3A_370 : vector<16xi1>, vector<16xf32>
        %select_n3A_372 = arith.select %eq3A_358, %broadcast_in_dim3A_337, %select_n3A_371 : vector<16xi1>, vector<16xf32>
        %select_n3A_373 = arith.select %eq3A_355, %broadcast_in_dim3A_334, %select_n3A_372 : vector<16xi1>, vector<16xf32>
        %select_n3A_374 = arith.select %eq3A_352, %broadcast_in_dim3A_331, %select_n3A_373 : vector<16xi1>, vector<16xf32>
        %mul3A_375 = arith.constant 16 : i32
        %mul3A_376 = arith.muli %scan3A_45, %mul3A_375 : i32
        %swap3A_377 = arith.index_cast %mul3A_376 : i32 to index
        %swap3A_378 = tpu.vector_load %arg17[%swap3A_377] {strides = array<i32>} : memref<1600xf32, #tpu.memory_space<vmem>>, vector<16xf32>,
        tpu.vector_store %arg17[%swap3A_377], %select_n3A_374 {strides = array<i32>} : memref<1600xf32, #tpu.memory_space<vmem>>, vector<16xf32>,
      } else {
      }
      %parallel_loop3A_346 = arith.constant 0 : i32
      %parallel_loop3A_347 = arith.constant 1280 : i32
      %parallel_loop3A_348 = arith.constant 16 : i32
      %parallel_loop3A_349:2 = scf.for %parallel_loop3A_350 = %parallel_loop3A_346 to %parallel_loop3A_347 step %parallel_loop3A_348 iter_args(%parallel_loop3A_351 = %broadcast_in_dim3A_7, %parallel_loop3A_352 = %broadcast_in_dim3A_9) -> (vector<16xf32>, vector<16xi32>)  : i32 {
        %parallel_loop3A_353 = arith.index_cast %parallel_loop3A_350 : i32 to index
        %parallel_loop3A_354 = tpu.vector_load %arg8[%parallel_loop3A_353] {strides = array<i32>} : memref<1280xf32, #tpu.memory_space<vmem>>, vector<16xf32>,
        %parallel_loop3A_355 = arith.index_cast %parallel_loop3A_350 : i32 to index
        %parallel_loop3A_356 = tpu.vector_load %arg9[%parallel_loop3A_355] {strides = array<i32>} : memref<1280xf32, #tpu.memory_space<vmem>>, vector<16xf32>,
        %parallel_loop3A_357 = arith.index_cast %parallel_loop3A_350 : i32 to index
        %parallel_loop3A_358 = tpu.vector_load %arg10[%parallel_loop3A_357] {strides = array<i32>} : memref<1280xf32, #tpu.memory_space<vmem>>, vector<16xf32>,
        %parallel_loop3A_359 = arith.index_cast %parallel_loop3A_350 : i32 to index
        %parallel_loop3A_360 = tpu.vector_load %arg11[%parallel_loop3A_359] {strides = array<i32>} : memref<1280xf32, #tpu.memory_space<vmem>>, vector<16xf32>,
        %parallel_loop3A_361 = arith.index_cast %parallel_loop3A_350 : i32 to index
        %parallel_loop3A_362 = tpu.vector_load %arg13[%parallel_loop3A_361] {strides = array<i32>} : memref<1280xf32, #tpu.memory_space<vmem>>, vector<16xf32>,
        %parallel_loop3A_363 = arith.maximumf %broadcast_in_dim3A_331, %parallel_loop3A_354 : vector<16xf32>
        %parallel_loop3A_364 = arith.maximumf %broadcast_in_dim3A_334, %parallel_loop3A_356 : vector<16xf32>
        %parallel_loop3A_365 = arith.minimumf %broadcast_in_dim3A_337, %parallel_loop3A_358 : vector<16xf32>
        %parallel_loop3A_366 = arith.minimumf %broadcast_in_dim3A_340, %parallel_loop3A_360 : vector<16xf32>
        %parallel_loop3A_367 = arith.subf %parallel_loop3A_365, %parallel_loop3A_363 : vector<16xf32>
        %parallel_loop3A_368 = arith.constant 0.000000e+00 : f32
        %parallel_loop3A_369 = vector.broadcast %parallel_loop3A_368 : f32 to vector<16xf32>
        %parallel_loop3A_370 = arith.maximumf %parallel_loop3A_367, %parallel_loop3A_369 : vector<16xf32>
        %parallel_loop3A_371 = arith.subf %parallel_loop3A_366, %parallel_loop3A_364 : vector<16xf32>
        %parallel_loop3A_372 = arith.constant 0.000000e+00 : f32
        %parallel_loop3A_373 = vector.broadcast %parallel_loop3A_372 : f32 to vector<16xf32>
        %parallel_loop3A_374 = arith.maximumf %parallel_loop3A_371, %parallel_loop3A_373 : vector<16xf32>
        %parallel_loop3A_375 = arith.mulf %parallel_loop3A_370, %parallel_loop3A_374 : vector<16xf32>
        %parallel_loop3A_376 = arith.index_cast %parallel_loop3A_350 : i32 to index
        %parallel_loop3A_377 = tpu.vector_load %arg14[%parallel_loop3A_376] {strides = array<i32>} : memref<1280xf32, #tpu.memory_space<vmem>>, vector<16xf32>,
        %parallel_loop3A_378 = arith.addf %mul3A_342, %parallel_loop3A_377 : vector<16xf32>
        %parallel_loop3A_379 = arith.subf %parallel_loop3A_378, %parallel_loop3A_375 : vector<16xf32>
        %parallel_loop3A_380 = arith.constant 9.99999971E-10 : f32
        %parallel_loop3A_381 = vector.broadcast %parallel_loop3A_380 : f32 to vector<16xf32>
        %parallel_loop3A_382 = arith.addf %parallel_loop3A_379, %parallel_loop3A_381 : vector<16xf32>
        %parallel_loop3A_383 = arith.divf %parallel_loop3A_375, %parallel_loop3A_382 : vector<16xf32>
        %parallel_loop3A_384 = arith.constant 5.000000e-01 : f32
        %parallel_loop3A_385 = vector.broadcast %parallel_loop3A_384 : f32 to vector<16xf32>
        %parallel_loop3A_386 = arith.cmpf ogt, %parallel_loop3A_383, %parallel_loop3A_385 : vector<16xf32>
        %parallel_loop3A_387 = arith.constant 0xFF800000 : f32
        %parallel_loop3A_388 = vector.broadcast %parallel_loop3A_387 : f32 to vector<16xf32>
        %parallel_loop3A_389 = arith.select %parallel_loop3A_386, %parallel_loop3A_388, %parallel_loop3A_362 : vector<16xi1>, vector<16xf32>
        %parallel_loop3A_390 = arith.index_cast %parallel_loop3A_350 : i32 to index
        %parallel_loop3A_391 = tpu.vector_load %arg13[%parallel_loop3A_390] {strides = array<i32>} : memref<1280xf32, #tpu.memory_space<vmem>>, vector<16xf32>,
        tpu.vector_store %arg13[%parallel_loop3A_390], %parallel_loop3A_389 {strides = array<i32>} : memref<1280xf32, #tpu.memory_space<vmem>>, vector<16xf32>,
        %parallel_loop3A_392 = vector.broadcast %parallel_loop3A_350 : i32 to vector<16xi32>
        %parallel_loop3A_393 = arith.addi %parallel_loop3A_392, %iota3A : vector<16xi32>
        %parallel_loop3A_394 = arith.cmpf ogt, %parallel_loop3A_389, %parallel_loop3A_351 : vector<16xf32>
        %parallel_loop3A_395 = arith.select %parallel_loop3A_394, %parallel_loop3A_389, %parallel_loop3A_351 : vector<16xi1>, vector<16xf32>
        %parallel_loop3A_396 = arith.select %parallel_loop3A_394, %parallel_loop3A_393, %parallel_loop3A_352 : vector<16xi1>, vector<16xi32>
        scf.yield %parallel_loop3A_395, %parallel_loop3A_396 : vector<16xf32>, vector<16xi32>
      } {sc.loop_unroll_factor = 8 : i64, sc.parallel_access}
      scf.yield %parallel_loop3A_349#0, %parallel_loop3A_349#1 : vector<16xf32>, vector<16xi32>
    }
    %scan3A_43 = arith.constant 100 : i32
    %convert_element_type3A = arith.extui %and3A : i1 to i32
    %cond3A = arith.constant 0 : i32
    %cond3A_44 = arith.cmpi ne, %convert_element_type3A, %cond3A : i32
    scf.if %cond3A_44 {
      "tpu.region"() ({
        %run_scoped3A = tpu.sem_alloc : memref<!tpu.dma_semaphore, #tpu.memory_space<semaphore_mem>>
        tpu.enqueue_dma source(%arg17 : memref<1600xf32, #tpu.memory_space<vmem>>) target(%arg7 : memref<1600xf32, #tpu.memory_space<hbm>>) target_semaphore(%run_scoped3A : memref<!tpu.dma_semaphore, #tpu.memory_space<semaphore_mem>>)
        tpu.wait_dma2 semaphore(%run_scoped3A : memref<!tpu.dma_semaphore, #tpu.memory_space<semaphore_mem>>) src(%arg17 : memref<1600xf32, #tpu.memory_space<vmem>>) dst(%arg7 : memref<1600xf32, #tpu.memory_space<hbm>>)
        tpu.yield
      }) : () -> ()
    } else {
    }
    return
  }
}

</mosaic_0001>

<sc_bundles>
// kernel: kernel.3.cloned.1.call-start
scs
__scs_entry_jumppad:
0x0: {  	(pc) =	sbr.rel $0x88, $3  }
0x1: {  	(tag) =	ssettag $0x0;
	lr =	simm.s32 $0x1  }
0x2: {  	[smem:$0x3F9F] =	sst lr;
	_ =	strace $0xD0000000  }
0x3: {  	_ = 	snop  }
0x4: {  	_ = 	snop  }
0x5: {  	_ = 	snop  }
0x6: {  	_ = 	snop  }
0x7: {  	_ = 	snop  }
__scs_overlays_trampoline_lowered:
0x8: {  	[smem:$0x3FAE] =	sst s0  }
0x9: {  	[smem:$0x3FAF] =	sst s1  }
0xa: {  	[smem:$0x3FB0] =	sst s2  }
0xb: {  	[smem:$0x3FB1] =	sst s3  }
0xc: {  	[smem:$0x3FB2] =	sst s4  }
0xd: {  	[smem:$0x3FB3] =	sst s5  }
0xe: {  	[smem:$0x3FB4] =	sst s6  }
0xf: {  	[smem:$0x3FB5] =	sst s7  }
0x10: {  	[smem:$0x3FB6] =	sst s8  }
0x11: {  	[smem:$0x3FB7] =	sst s9;
	s0 =	simm.s32 @!p0 $0x0  }
0x12: {  	s1 =	sld [smem:$0x3F9D];
	s0 =	simm.s32 @p0 $0x1  }
0x13: {  	[smem:$0x3FB8] =	sst s0;
	s0 =	simm.s32 @!p1 $0x0  }
0x14: {  	s2 =	sld [smem:$0x3F9C];
	s0 =	simm.s32 @p1 $0x1  }
0x15: {  	[smem:$0x3FB9] =	sst s0;
	s0 =	simm.s32 @!p2 $0x0  }
0x16: {  	s3 =	sld [smem:$0x3FDB];
	s0 =	simm.s32 @p2 $0x1  }
0x17: {  	s4 =	simm.s32 $0x1BF5;
	[smem:$0x3FBB] =	sst s0  }
0x18: {  	s0 =	sld [smem:$0x3F9E];
	_ =	swait.ge [sflag:s4], $0x0  }
0x19: {  	s7 =	sld [smem:$0x3F9F]  }
0x1a: {  	s8 =	sadd.s32 $0xFFFFE003, lr  }
0x1b: {  	s9 =	sadd.s32 $0xFFFFFEF7, lr;
	s5 =	simm.s32 $0xFFFFFFFF;
	p2 =	slt.u32 s8, $0xFFFFF086  }
0x1c: {  	p1 =	slt.u32 s9, $0xF7A;
	s5 =	simm.s32 @!p2 $0x0  }
0x1d: {  	s5 =	simm.s32 @p1 $0x1;
	p0 =	seq.s32 s7, s2  }
0x1e: {  	s7 =	smul.u32 @!p0 $0xF7A, s2;
	p2 =	seq.s32 @!p0 s5, $0x0  }
0x1f: {  	s9 =	smul.u32 $0xF7A, s1;
	s8 =	simm.s32 @!p0 $0x1BF5;
	p2 =	por !p2, p0  }
0x20: {  	[sflag:s8] =	ssyncset.s32 @!p0 $0xFFFFF086;
	s6 =	sadd.s32 @!p0 s3, s7;
	s7 =	simm.s32 @!p0 $0x108  }
0x21: {  	s3 =	sadd.s32 s3, s9;
	s6 =	sadd.s32 @!p0 $0x88, s6;
	s7 =	simm.s32 @p2 $0x1082  }
0x22: {  	[simem:s7], [sflag:s8] =	dma.local @!p0 [hbm:s6], $0xF7A  }
0x23: {  	s9 =	sor.u32 $0xD0000000, s2;
	s6 =	simm.s32 $0x108;
	_ =	swait.ge @!p0 [sflag:s8], $0x0  }
0x24: {  	s3 =	sadd.s32 $0x88, s3;
	s6 =	simm.s32 @!p1 $0x1082;
	[sflag:s4] =	ssyncset.s32 $0xFFFFF086  }
0x25: {  	[simem:s6], [sflag:s4] =	dma.local [hbm:s3], $0xF7A  }
0x26: {  	[smem:$0x3F9F] =	sst s1;
	(tag) =	ssettag s2;
	_ =	strace s9  }
0x27: {  	s1 =	sld [smem:$0x3FAF]  }
0x28: {  	s2 =	sld [smem:$0x3FB0]  }
0x29: {  	s4 =	sld [smem:$0x3FB2]  }
0x2a: {  	p0 =	seq.s32 s5, $0x0;
	s5 =	sld [smem:$0x3FB3]  }
0x2b: {  	s6 =	sld [smem:$0x3FB4]  }
0x2c: {  	s7 =	sld [smem:$0x3FB5]  }
0x2d: {  	s3 =	simm.s32 $0x108;
	s8 =	sld [smem:$0x3FB6]  }
0x2e: {  	s3 =	simm.s32 @!p0 $0x1082;
	s9 =	sld [smem:$0x3FB7]  }
0x2f: {  	lr =	sadd.s32 s0, s3;
	s0 =	sld [smem:$0x3FAE]  }
0x30: {  	s3 =	sld [smem:$0x3FB1]  }
0x31: {  	[smem:$0x3FBA] =	sst s10  }
0x32: {  	s10 =	sld [smem:$0x3FB8];
	_ =	sdelay $0x3  }
0x33: {  	p0 =	seq.s32 s10, $0x1;
	s10 =	sld [smem:$0x3FBA];
	_ =	sdelay $0x3  }
0x34: {  	[smem:$0x3FBA] =	sst s10  }
0x35: {  	s10 =	sld [smem:$0x3FB9];
	_ =	sdelay $0x3  }
0x36: {  	p1 =	seq.s32 s10, $0x1;
	s10 =	sld [smem:$0x3FBA];
	_ =	sdelay $0x3  }
0x37: {  	[smem:$0x3FBA] =	sst s10  }
0x38: {  	s10 =	sld [smem:$0x3FBB]  }
0x39: {  	_ = 	snop;
	(pc) =	sbr.ind lr, $3  }
0x3a: {  	_ = 	snop  }
0x3b: {  	_ = 	snop  }
0x3c: {  	p2 =	seq.s32 s10, $0x1;
	s10 =	sld [smem:$0x3FBA]  }
0x3d: {  	_ =	shalt  }
0x3e: {  	_ =	shalt  }
0x3f: {  	_ =	shalt  }
0x40: {  	_ =	shalt  }
0x41: {  	_ =	shalt  }
0x42: {  	_ =	shalt  }
0x43: {  	_ =	shalt  }
0x44: {  	_ =	shalt  }
0x45: {  	_ =	shalt  }
0x46: {  	_ =	shalt  }
0x47: {  	_ =	shalt  }
0x48: {  	_ =	shalt  }
0x49: {  	_ =	shalt  }
0x4a: {  	_ =	shalt  }
0x4b: {  	_ =	shalt  }
0x4c: {  	_ =	shalt  }
0x4d: {  	_ =	shalt  }
0x4e: {  	_ =	shalt  }
0x4f: {  	_ =	shalt  }
0x50: {  	_ =	shalt  }
0x51: {  	_ =	shalt  }
0x52: {  	_ =	shalt  }
0x53: {  	_ =	shalt  }
0x54: {  	_ =	shalt  }
0x55: {  	_ =	shalt  }
0x56: {  	_ =	shalt  }
0x57: {  	_ =	shalt  }
0x58: {  	_ =	shalt  }
0x59: {  	_ =	shalt  }
0x5a: {  	_ =	shalt  }
0x5b: {  	_ =	shalt  }
0x5c: {  	_ =	shalt  }
0x5d: {  	_ =	shalt  }
0x5e: {  	_ =	shalt  }
0x5f: {  	_ =	shalt  }
0x60: {  	_ =	shalt  }
0x61: {  	_ =	shalt  }
0x62: {  	_ =	shalt  }
0x63: {  	_ =	shalt  }
0x64: {  	_ =	shalt  }
0x65: {  	_ =	shalt  }
0x66: {  	_ =	shalt  }
0x67: {  	_ =	shalt  }
0x68: {  	_ =	shalt  }
0x69: {  	_ =	shalt  }
0x6a: {  	_ =	shalt  }
0x6b: {  	_ =	shalt  }
0x6c: {  	_ =	shalt  }
0x6d: {  	_ =	shalt  }
0x6e: {  	_ =	shalt  }
0x6f: {  	_ =	shalt  }
0x70: {  	_ =	shalt  }
0x71: {  	_ =	shalt  }
0x72: {  	_ =	shalt  }
0x73: {  	_ =	shalt  }
0x74: {  	_ =	shalt  }
0x75: {  	_ =	shalt  }
0x76: {  	_ =	shalt  }
0x77: {  	_ =	shalt  }
0x78: {  	_ =	shalt  }
0x79: {  	_ =	shalt  }
0x7a: {  	_ =	shalt  }
0x7b: {  	_ =	shalt  }
0x7c: {  	_ =	shalt  }
0x7d: {  	_ =	shalt  }
0x7e: {  	_ =	shalt  }
0x7f: {  	_ =	shalt  }
0x80: {  	_ =	shalt  }
0x81: {  	_ =	shalt  }
0x82: {  	_ =	shalt  }
0x83: {  	_ =	shalt  }
0x84: {  	_ =	shalt  }
0x85: {  	_ =	shalt  }
0x86: {  	_ =	shalt  }
0x87: {  	_ =	shalt  }
.Lfunc_end0:
.L_simem_size_0:
called_computation_lowered:
.L_overlay_start_0:
0x88: {  	s2 =	sld [smem:$0x3FD9]  }
0x89: {  	s3 =	sld [smem:$0x3FFE];
	_ =	sdelay $0x1  }
0x8a: {  	s1 =	srdreg.scid  }
0x8b: {  	s0 =	sand.u32 $0x1, s1  }
0x8c: {  	s16 =	sshll.u32 s0, $0xA;
	s2 =	sadd.s32 s3, s2  }
0x8d: {  	s2 =	sadd.s32 s2, s16  }
0x8e: {  	[smem:$0x3FC6] =	sst s2  }
0x8f: {  	_ = 	snop  }
0x90: {  	(tm) =	ssettm $0x1  }
0x91: {  	s17 =	sld [smem:$0x3FFB];
	_ =	sdelay $0x3  }
0x92: {  	_ =	strace s17  }
0x93: {  	s2 =	sld [smem:$0x3FFC];
	_ =	sdelay $0x3  }
0x94: {  	_ =	strace s2  }
0x95: {  	s2 =	sld [smem:$0x3FFD];
	_ =	sdelay $0x3  }
0x96: {  	_ =	strace s2  }
0x97: {  	_ =	strace $0x8FFFFFFF  }
0x98: {  	s18 =	sld [smem:$0x3FDB];
	_ =	sdelay $0x1  }
0x99: {  	s19 =	simm.s32 $_scs_section_size  }
0x9a: {  	s4 =	simm.s32 $_size__tile_overlayer_lowered;
	s5 =	simm.s32 $_tile_overlayer_lowered  }
0x9b: {  	s22 =	simm.s32 $0x1BFF;
	s21 =	sshll.u32 s5, $0x1;
	s2 =	sadd.s32 s19, s18  }
0x9c: {  	s6 =	simm.s32 $0x0;
	s20 =	sshll.u32 s4, $0x1;
	s4 =	sadd.s32 s21, s2  }
0x9d: {  	[timem:s6], [sflag:s22] =	dma.local [hbm:s4], s20  }
0x9e: {  	_ =	swait.ge [sflag:s22], s20  }
0x9f: {  	s3 =	ssub.s32 $0x0, s20;
	[sflag:s22] =	ssyncset.done $0x0  }
0xa0: {  	[sflag:s22] =	ssyncadd.s32 s3;
	_ =	sdelay $0x1  }
0xa1: {  	s23 =	simm.s32 $0x1B8B  }
0xa2: {  	_ =	swait.ge [sflag:s23], $0x1  }
0xa3: {  	[sflag:s23] =	ssyncset.done $0x0  }
0xa4: {  	s25 =	simm.s32 $0x1B8E;
	s24 =	sld [smem:$0x3FFE];
	[sflag:s23] =	ssyncadd.s32 $0xFFFFFFFF  }
0xa5: {  	s26 =	simm.s32 $execute0_lowered;
	[smem:$0x3FD2] =	sst s25  }
0xa6: {  	s4 =	sshll.u32 s26, $0x1;
	_ =	strace $0x80000046;
	[dreg:$0x1] =	wrdreg $0xFFFFFFFF  }
0xa7: {  	s28 =	simm.s32 $_size_execute0_lowered;
	s2 =	sadd.s32 s2, s4;
	[dreg:$0x0] =	wrdreg $0x0  }
0xa8: {  	s4 =	sshll.u32 s28, $0x1;
	[dreg:$0x2] =	wrdreg s2  }
0xa9: {  	[dreg:$0x3] =	wrdreg s4  }
0xaa: {  	[dreg:$0x4] =	wrdreg $0xC0  }
0xab: {  	_ =	task [dreg:s6], $0x5FFFF  }
0xac: {  	[dreg:$0x1] =	wrdreg $0xFFFFFFFF  }
0xad: {  	[dreg:$0x0] =	wrdreg $0x60  }
0xae: {  	[dreg:$0x2] =	wrdreg s24  }
0xaf: {  	[dreg:$0x3] =	wrdreg $0x2B800  }
0xb0: {  	[dreg:$0x4] =	wrdreg $0x9  }
0xb1: {  	_ =	task.clear_ibuf [dreg:s6], $0x5FFFF;
	_ =	strace $0x90000046  }
0xb2: {  	s29 =	simm.s32 $0x9;
	_ =	strace $0x80000048  }
0xb3: {  	_ =	swait.ge [sflag:s29], $0x1  }
0xb4: {  	[sflag:s29] =	ssyncadd.s32 $0xFFFFFFFF  }
0xb5: {  	_ =	strace $0x90000048  }
0xb6: {  	_ =	sfence  }
0xb7: {  	s30 =	sld [smem:$0x0];
	_ =	sdelay $0x2  }
0xb8: {  	s31 =	sshll.u32 s1, $0xD;
	s1 =	sshrl.u32 s1, $0x2  }
0xb9: {  	s3 =	sand.u32 $0x4000, s31;
	s1 =	sadd.s32 s1, s30  }
0xba: {  	s0 =	sor.u32 s3, s0;
	s1 =	sshll.u32 s1, $0x11  }
0xbb: {  	s0 =	sor.u32 s1, s0  }
0xbc: {  	s0 =	sadd.s32 $0x8F2B, s0  }
0xbd: {  	[sflag:s0] =	ssyncadd.remote.s32 $0x1  }
0xbe: {  	_ =	sfence.sel $0xFFFF  }
0xbf: {  	[dreg:$0x0] =	wrdreg $0xFFFFFFFF;
	(pc) =	sbr.abs _section_cstart, $3  }
0xc0: {  	[dreg:$0x1] =	wrdreg $0xFFFFFFFF  }
0xc1: {  	_ =	task.clear_ibuf [dreg:s6], $0x2FFFF;
	_ =	strace $0x9FFFFFFF  }
0xc2: {  	(tm) =	ssettm $0x7FFFFFFF  }
0xc3: {  	_ =	shalt  }
tec
execute0_lowered:
.L_overlay_start_1:
0x0: {  	(tag) =	ssettag $0x1  }
0x1: {  	v0 =	vimm.s32 $0x3210FEDC  }
0x2: {  	v1 =	vimm.s32 $0x76543210;
	v2 =	vimm.s32 $0xFEDCBA98;
	v3 =	vimm.s32 $0xBA987654  }
0x3: {  	v4 =	vimm.s32 $0x10FEDCBA;
	v5 =	vimm.s32 $0x98765432;
	v6 =	vimm.s32 $0xFEDCBA9  }
0x4: {  	v7 =	vimm.s32 $0x87654321;
	vm1 =	vcmask $0x3F14;
	vm2 =	vcmask $0x3F10  }
0x5: {  	s5 =	rddreg [dreg:$0x0];
	vm3 =	vcmask $0x3F0C;
	vm4 =	vcmask $0x3F08;
	vm5 =	vmmov $0x1  }
0x6: {  	s1 =	rddreg [dreg:$0x1];
	v0 =	vunpack.c.l.s4.s8 v0;
	v1 =	vunpack.c.l.s4.s8 v1;
	v2 =	vunpack.c.l.s4.s8 v2  }
0x7: {  	s4 =	srdreg.scid;
	s3 =	simm.s32 $0x0;
	s2 =	stileid.u32;
	v3 =	vunpack.c.l.s4.s8 v3;
	v4 =	vunpack.c.l.s4.s8 v4;
	v5 =	vunpack.c.l.s4.s8 v5  }
0x8: {  	s12 =	simm.s32 $0x500;
	s13 =	simm.s32 $0xA00;
	s14 =	simm.s32 $0xF00;
	v6 =	vunpack.c.l.s4.s8 v6;
	v7 =	vunpack.c.l.s4.s8 v7;
	v0 =	vunpack.c.0.s8.s32 v0  }
0x9: {  	s16 =	simm.s32 $0x1900;
	s18 =	simm.s32 $0x2300;
	s10 =	sand.u32 $0x1, s4;
	v3 =	vunpack.c.0.s8.s32 v3;
	v2 =	vunpack.c.0.s8.s32 v2;
	v4 =	vunpack.c.0.s8.s32 v4  }
0xa: {  	s19 =	simm.s32 $0x2380;
	s20 =	simm.s32 $0x0;
	s15 =	sor.u32 s2, s10;
	v5 =	vunpack.c.0.s8.s32 v5;
	v6 =	vunpack.c.0.s8.s32 v6;
	v8 =	vunpack.c.0.s8.s32 v1  }
0xb: {  	[smem:$0x7FF] =	sst s3;
	s7 =	smul.u32 $0x9E, s2;
	v7 =	vunpack.c.0.s8.s32 v7;
	v1 =	vlaneseq.u32;
	p0 =	sne.s32 s15, $0x0;
	v2 =	vand.u32 $0xF, v2  }
0xc: {  	s4 =	sadd.s32 $0x3200, s5;
	s17 =	sshll.u32 s2, $0x6;
	s6 =	ssub.s32 $0x2, s10;
	vm7 =	vcmask @!p0 $0x1310;
	vm8 =	vcmask @!p0 $0x3F10;
	v2 =	vcombine.low v2, v8  }
0xd: {  	_ =	strace $0x80000047;
	s17 =	sshrl.u32 s17, $0x2;
	s8 =	sshrl.u32 s6, $0x1;
	vm9 =	vcmask @!p0 $0x3F0C;
	v3 =	vcombine.low v3, v0;
	v4 =	vcombine.low v5, v4  }
0xe: {  	s5 =	sadd.s32 s5, s7;
	s15 =	simm.s32 $0x1400;
	s11 =	ssub.s32 s6, s8;
	v5 =	vcombine.low v7, v6;
	v6 =	vmul.u32 $0x10, v1;
	v0 =	vperm.xlane v1, v2  }
0xf: {  	s6 =	sadd.s32 $0xA00, s5;
	s7 =	sadd.s32 $0x1400, s5;
	s8 =	sadd.s32 $0x1E00, s5;
	vm10 =	vcmask @!p0 $0x3F08;
	vm11 =	vmmov @!p0 $0x1;
	v3 =	vand.u32 $0xF, v3  }
0x10: {  	s9 =	sadd.s32 $0x2800, s5;
	s10 =	smax.u32 s11, $0x1;
	s11 =	simm.s32 $0x1;
	v4 =	vand.u32 $0xF, v4;
	v5 =	vand.u32 $0xF, v5;
	[tilespmem:$0x1FFF0] =	vst v6;
	v7 =	vmovc v0;
	vm6 =	vlt.s32 v0, v1  }
.LBB2_1:
0x11: {  	[tilespmem:s3], [sflag:$0x1] =	stream.linear.gather [hbm4b:s5+s3], $0x4F0, $0x38;
	[tilespmem:$0x2BA0] =	vst v63  }
0x12: {  	_ =	swait.ge [sflag:s11], $0x4F0  }
0x13: {  	[sflag:s11] =	ssyncset.done $0x0  }
0x14: {  	[sflag:s11] =	ssyncadd.s32 $0xFFFFFB10  }
0x15: {  	[tilespmem:s12], [sflag:$0x1] =	stream.linear.gather [hbm4b:s6+s3], $0x4F0, $0x38;
	[tilespmem:$0x2BA0] =	vst v63  }
0x16: {  	_ =	swait.ge [sflag:s11], $0x4F0  }
0x17: {  	[sflag:s11] =	ssyncset.done $0x0  }
0x18: {  	[sflag:s11] =	ssyncadd.s32 $0xFFFFFB10  }
0x19: {  	[tilespmem:s13], [sflag:$0x1] =	stream.linear.gather [hbm4b:s7+s3], $0x4F0, $0x38;
	[tilespmem:$0x2BA0] =	vst v63  }
0x1a: {  	_ =	swait.ge [sflag:s11], $0x4F0  }
0x1b: {  	[sflag:s11] =	ssyncset.done $0x0  }
0x1c: {  	[sflag:s11] =	ssyncadd.s32 $0xFFFFFB10  }
0x1d: {  	[tilespmem:s14], [sflag:$0x1] =	stream.linear.gather [hbm4b:s8+s3], $0x4F0, $0x38;
	[tilespmem:$0x2BA0] =	vst v63  }
0x1e: {  	_ =	swait.ge [sflag:s11], $0x4F0  }
0x1f: {  	[sflag:s11] =	ssyncset.done $0x0  }
0x20: {  	[sflag:s11] =	ssyncadd.s32 $0xFFFFFB10  }
0x21: {  	[tilespmem:s15], [sflag:$0x1] =	stream.linear.gather [hbm4b:s9+s3], $0x4F0, $0x38;
	[tilespmem:$0x2BA0] =	vst v63  }
0x22: {  	_ =	swait.ge [sflag:s11], $0x4F0  }
0x23: {  	[sflag:s11] =	ssyncset.done $0x0  }
0x24: {  	[sflag:s11] =	ssyncadd.s32 $0xFFFFFB10  }
0x25: {  	[tilespmem:s16], [sflag:$0x1] =	stream.linear.gather [hbm4b:s9+s3], $0x4F0, $0x38;
	[tilespmem:$0x2BA0] =	vst v63  }
0x26: {  	_ =	swait.ge [sflag:s11], $0x4F0  }
0x27: {  	[sflag:s11] =	ssyncset.done $0x0  }
0x28: {  	v0 =	vimm.f32 $-Inf;
	[sflag:s11] =	ssyncadd.s32 $0xFFFFFB10  }
0x29: {  	s21 =	simm.s32 $0xA40;
	[tilespmem:$0x1DF0] =	vst v0  }
0x2a: {  	s22 =	simm.s32 $0x40;
	v9 =	vld [tilespmem:s21+$0x30]  }
0x2b: {  	s23 =	simm.s32 $0xF40;
	v10 =	vld [tilespmem:s22+$0x30]  }
0x2c: {  	s24 =	simm.s32 $0x540;
	v11 =	vld [tilespmem:s23+$0x30]  }
0x2d: {  	v12 =	vld [tilespmem:s24+$0x30]  }
0x2e: {  	v8 =	vld [tilespmem:s22+$0xFFFFFFC0]  }
0x2f: {  	v15 =	vld [tilespmem:s23+$0xFFFFFFC0]  }
0x30: {  	v16 =	vld [tilespmem:s24+$0xFFFFFFC0]  }
0x31: {  	v13 =	vld [tilespmem:s21+$0xFFFFFFD0]  }
0x32: {  	v14 =	vld [tilespmem:s22+$0xFFFFFFD0]  }
0x33: {  	v17 =	vld [tilespmem:s23+$0xFFFFFFD0]  }
0x34: {  	v18 =	vld [tilespmem:s24+$0xFFFFFFD0]  }
0x35: {  	v19 =	vld [tilespmem:s21+$0xFFFFFFE0]  }
0x36: {  	v20 =	vld [tilespmem:s22+$0xFFFFFFE0]  }
0x37: {  	v21 =	vld [tilespmem:s23+$0xFFFFFFE0]  }
0x38: {  	v22 =	vld [tilespmem:s24+$0xFFFFFFE0]  }
0x39: {  	v23 =	vld [tilespmem:s21+$0xFFFFFFF0]  }
0x3a: {  	v24 =	vld [tilespmem:s22+$0xFFFFFFF0]  }
0x3b: {  	v25 =	vld [tilespmem:s23+$0xFFFFFFF0]  }
0x3c: {  	v26 =	vld [tilespmem:s24+$0xFFFFFFF0]  }
0x3d: {  	v27 =	vld [tilespmem:s21+$0x0]  }
0x3e: {  	v28 =	vld [tilespmem:s22+$0x0]  }
0x3f: {  	v29 =	vld [tilespmem:s23+$0x0]  }
0x40: {  	v30 =	vld [tilespmem:s24+$0x0]  }
0x41: {  	v62 =	vld [tilespmem:s24+$0x10];
	v9 =	vsub.f32 v9, v10;
	v10 =	vsub.f32 v11, v12  }
0x42: {  	v11 =	vld [tilespmem:s21+$0x10];
	v12 =	vsub.f32 v13, v14;
	v13 =	vsub.f32 v17, v18  }
0x43: {  	v17 =	vld [tilespmem:s22+$0x10];
	v14 =	vsub.f32 v21, v22;
	v9 =	vmul.f32 v10, v9;
	v10 =	vsub.f32 v19, v20  }
0x44: {  	s26 =	simm.s32 $0x1E40;
	v18 =	vld [tilespmem:s23+$0x10];
	v13 =	vmul.f32 v13, v12;
	v19 =	vsub.f32 v23, v24;
	v20 =	vsub.f32 v25, v26  }
0x45: {  	v63 =	vsub.f32 v29, v30;
	v12 =	vld [tilespmem:s21+$0x20];
	[tilespmem:s26+$0x30] =	vst v9;
	v9 =	vmul.f32 v14, v10;
	v10 =	vsub.f32 v27, v28  }
0x46: {  	[tilespmem:s26+$0xFFFFFFD0] =	vst v13;
	v19 =	vmul.f32 v20, v19;
	v14 =	vld [tilespmem:s22+$0x20]  }
0x47: {  	v13 =	vld [tilespmem:s23+$0x20];
	[tilespmem:s26+$0xFFFFFFE0] =	vst v9;
	v20 =	vmul.f32 v63, v10  }
0x48: {  	v10 =	vsub.f32 v15, v16;
	[tilespmem:s26+$0xFFFFFFF0] =	vst v19;
	v15 =	vld [tilespmem:s24+$0x20]  }
0x49: {  	s28 =	simm.s32 $0x0;
	s25 =	simm.s32 $0x1940;
	s29 =	simm.s32 $0xAC0;
	v17 =	vsub.f32 v11, v17;
	v18 =	vsub.f32 v18, v62;
	v9 =	vimm.s32 $0x0;
	v16 =	vld [tilespmem:s21+$0xFFFFFFC0];
	[tilespmem:s26+$0x0] =	vst v20  }
.LBB2_2:
0x4a: {  	v11 =	vld [tilespmem:s29+$0x30];
	s22 =	sadd.s32 $0x80, s22  }
0x4b: {  	s23 =	sadd.s32 $0x80, s23;
	v19 =	vld [tilespmem:s22+$0x30];
	v17 =	vmul.f32 v18, v17;
	v12 =	vsub.f32 v12, v14  }
0x4c: {  	s24 =	sadd.s32 $0x80, s24;
	v14 =	vld [tilespmem:s23+$0x30]  }
0x4d: {  	s28 =	sadd.s32 $0x80, s28;
	v18 =	vld [tilespmem:s24+$0x30];
	[tilespmem:s26+$0x10] =	vst v17;
	v13 =	vsub.f32 v13, v15  }
0x4e: {  	p1 =	slt.u32 s28, $0x480;
	v15 =	vsub.f32 v16, v8;
	v8 =	vld [tilespmem:s22+$0xFFFFFFC0]  }
0x4f: {  	v16 =	vld [tilespmem:s23+$0xFFFFFFC0];
	v12 =	vmul.f32 v13, v12  }
0x50: {  	v13 =	vld [tilespmem:s24+$0xFFFFFFC0];
	v10 =	vmul.f32 v10, v15  }
0x51: {  	v15 =	vld [tilespmem:s29+$0xFFFFFFD0];
	[tilespmem:s26+$0x20] =	vst v12  }
0x52: {  	v11 =	vsub.f32 v11, v19;
	v12 =	vld [tilespmem:s22+$0xFFFFFFD0];
	v14 =	vsub.f32 v14, v18;
	[tilespmem:s26+$0xFFFFFFC0] =	vst v10  }
0x53: {  	v17 =	vld [tilespmem:s23+$0xFFFFFFD0]  }
0x54: {  	v18 =	vld [tilespmem:s24+$0xFFFFFFD0];
	v11 =	vmul.f32 v14, v11  }
0x55: {  	s26 =	sadd.s32 $0x80, s26;
	v10 =	vsub.f32 v16, v13;
	v13 =	vld [tilespmem:s29+$0xFFFFFFE0]  }
0x56: {  	s21 =	simm.s32 $0x0;
	v14 =	vld [tilespmem:s22+$0xFFFFFFE0];
	[tilespmem:s26+$0x30] =	vst v11;
	v11 =	vimm.f32 $-Inf  }
0x57: {  	v12 =	vsub.f32 v15, v12;
	v15 =	vld [tilespmem:s23+$0xFFFFFFE0]  }
0x58: {  	v16 =	vld [tilespmem:s24+$0xFFFFFFE0]  }
0x59: {  	v17 =	vsub.f32 v17, v18;
	v18 =	vld [tilespmem:s29+$0xFFFFFFF0]  }
0x5a: {  	v19 =	vld [tilespmem:s22+$0xFFFFFFF0]  }
0x5b: {  	v12 =	vmul.f32 v17, v12;
	v13 =	vsub.f32 v13, v14;
	v14 =	vld [tilespmem:s23+$0xFFFFFFF0]  }
0x5c: {  	v17 =	vld [tilespmem:s24+$0xFFFFFFF0]  }
0x5d: {  	[tilespmem:s26+$0xFFFFFFD0] =	vst v12;
	v12 =	vsub.f32 v15, v16;
	v15 =	vld [tilespmem:s29+$0x0]  }
0x5e: {  	v16 =	vld [tilespmem:s22+$0x0]  }
0x5f: {  	v12 =	vmul.f32 v12, v13;
	v13 =	vsub.f32 v18, v19;
	v18 =	vld [tilespmem:s23+$0x0]  }
0x60: {  	v19 =	vld [tilespmem:s24+$0x0]  }
0x61: {  	[tilespmem:s26+$0xFFFFFFE0] =	vst v12;
	v12 =	vsub.f32 v14, v17;
	v17 =	vld [tilespmem:s29+$0x10]  }
0x62: {  	v20 =	vld [tilespmem:s22+$0x10]  }
0x63: {  	v12 =	vmul.f32 v12, v13;
	v13 =	vsub.f32 v15, v16;
	v21 =	vld [tilespmem:s23+$0x10]  }
0x64: {  	v22 =	vld [tilespmem:s24+$0x10]  }
.Ltmp0:
0x65: {  	[tilespmem:s26+$0xFFFFFFF0] =	vst v12;
	v15 =	vsub.f32 v18, v19;
	v12 =	vld [tilespmem:s29+$0x20];
	(pc) =	sbr.rel @p1 .LBB2_2-.Ltmp0, $4  }
0x66: {  	v14 =	vld [tilespmem:s22+$0x20]  }
0x67: {  	v18 =	vmul.f32 v15, v13;
	v17 =	vsub.f32 v17, v20;
	v13 =	vld [tilespmem:s23+$0x20]  }
0x68: {  	v15 =	vld [tilespmem:s24+$0x20]  }
0x69: {  	v16 =	vld [tilespmem:s29+$0xFFFFFFC0];
	[tilespmem:s26+$0x0] =	vst v18;
	v18 =	vsub.f32 v21, v22;
	s29 =	sadd.s32 $0x80, s29  }
0x6a: {  	_ =	sdelay $0x2  }
0x6b: {  	v12 =	vsub.f32 v12, v14;
	v13 =	vsub.f32 v13, v15  }
0x6c: {  	v14 =	vmul.f32 v18, v17;
	v8 =	vsub.f32 v16, v8  }
0x6d: {  	v12 =	vmul.f32 v13, v12  }
0x6e: {  	[tilespmem:s26+$0x10] =	vst v14;
	v8 =	vmul.f32 v10, v8  }
0x6f: {  	[tilespmem:s26+$0x20] =	vst v12  }
0x70: {  	[tilespmem:s26+$0xFFFFFFC0] =	vst v8  }
0x71: {  	v8 =	vld [tilespmem:s25+$0xFFFFFFC0];
	_ =	sdelay $0x1  }
0x72: {  	v10 =	vld [tilespmem:s25+$0xFFFFFFD0];
	_ =	sdelay $0x1  }
0x73: {  	v12 =	vld [tilespmem:s25+$0xFFFFFFE0]  }
0x74: {  	vm12 =	vgt.f32 v8, v11  }
0x75: {  	v8 =	vsel vm12, v8, v11;
	v11 =	vld [tilespmem:s25+$0xFFFFFFF0]  }
0x76: {  	vm13 =	vgt.f32 v10, v8  }
0x77: {  	v8 =	vsel vm13, v10, v8  }
0x78: {  	s22 =	simm.s32 $0x10;
	v13 =	vor.u32 s21, v1;
	v10 =	vld [tilespmem:s25+$0x0];
	vm14 =	vgt.f32 v12, v8  }
0x79: {  	s29 =	simm.s32 $0x20;
	v9 =	vsel vm12, v13, v9;
	v13 =	vor.u32 s22, v1;
	v8 =	vsel vm14, v12, v8  }
0x7a: {  	s30 =	simm.s32 $0x30;
	v9 =	vsel vm13, v13, v9;
	v13 =	vor.u32 s29, v1;
	v12 =	vld [tilespmem:s25+$0x10];
	vm12 =	vgt.f32 v11, v8  }
0x7b: {  	v11 =	vsel vm12, v11, v8;
	v8 =	vsel vm14, v13, v9;
	v9 =	vor.u32 s30, v1  }
0x7c: {  	s31 =	simm.s32 $0x40;
	v9 =	vsel vm12, v9, v8;
	v8 =	vld [tilespmem:s25+$0x20]  }
0x7d: {  	v13 =	vor.u32 s31, v1;
	vm13 =	vgt.f32 v10, v11  }
0x7e: {  	s23 =	simm.s32 $0x50;
	v11 =	vsel vm13, v10, v11;
	v13 =	vsel vm13, v13, v9;
	v9 =	vld [tilespmem:s25+$0x30]  }
0x7f: {  	s24 =	simm.s32 $0x0;
	v14 =	vor.u32 s23, v1;
	s23 =	simm.s32 $0x19C0;
	vm12 =	vgt.f32 v12, v11  }
0x80: {  	s26 =	simm.s32 $0x60;
	s22 =	simm.s32 $0x80;
	v10 =	vld [tilespmem:s23+$0xFFFFFFC0];
	s25 =	simm.s32 $0x100;
	v12 =	vsel vm12, v12, v11;
	v11 =	vsel vm12, v14, v13  }
.LBB2_4:
0x81: {  	p1 =	slt.u32 s25, $0x480;
	v13 =	vor.u32 s26, v1;
	vm12 =	vgt.f32 v8, v12  }
0x82: {  	s26 =	sadd.s32 $0x70, s24;
	s24 =	smov.u32 s22;
	s22 =	smov.u32 s25;
	v14 =	vld [tilespmem:s23+$0xFFFFFFD0];
	v8 =	vsel vm12, v8, v12;
	v11 =	vsel vm12, v13, v11  }
0x83: {  	v12 =	vor.u32 s26, v1;
	vm12 =	vgt.f32 v9, v8  }
0x84: {  	v13 =	vld [tilespmem:s23+$0xFFFFFFE0];
	v8 =	vsel vm12, v9, v8;
	v9 =	vsel vm12, v12, v11  }
0x85: {  	v11 =	vor.u32 s24, v1;
	vm12 =	vgt.f32 v10, v8  }
0x86: {  	s26 =	sadd.s32 $0x10, s24;
	v8 =	vsel vm12, v10, v8;
	v9 =	vsel vm12, v11, v9;
	v10 =	vld [tilespmem:s23+$0xFFFFFFF0]  }
0x87: {  	v11 =	vor.u32 s26, v1;
	vm12 =	vgt.f32 v14, v8  }
0x88: {  	s26 =	sadd.s32 $0x20, s24;
	v8 =	vsel vm12, v14, v8;
	v9 =	vsel vm12, v11, v9;
	v11 =	vld [tilespmem:s23+$0x0]  }
0x89: {  	v12 =	vor.u32 s26, v1;
	vm12 =	vgt.f32 v13, v8  }
0x8a: {  	s26 =	sadd.s32 $0x30, s24;
	v8 =	vsel vm12, v13, v8;
	v9 =	vsel vm12, v12, v9;
	v12 =	vld [tilespmem:s23+$0x10]  }
0x8b: {  	v13 =	vor.u32 s26, v1;
	vm12 =	vgt.f32 v10, v8  }
.Ltmp1:
0x8c: {  	s26 =	sadd.s32 $0x40, s24;
	v10 =	vsel vm12, v10, v8;
	v9 =	vsel vm12, v13, v9;
	v8 =	vld [tilespmem:s23+$0x20];
	(pc) =	sbr.rel @p1 .LBB2_4-.Ltmp1, $4  }
0x8d: {  	v13 =	vor.u32 s26, v1;
	vm12 =	vgt.f32 v11, v10  }
0x8e: {  	s26 =	sadd.s32 $0x50, s24;
	v11 =	vsel vm12, v11, v10;
	v13 =	vsel vm12, v13, v9;
	v9 =	vld [tilespmem:s23+$0x30]  }
0x8f: {  	v14 =	vor.u32 s26, v1;
	s23 =	sadd.s32 $0x80, s23;
	vm12 =	vgt.f32 v12, v11  }
0x90: {  	s25 =	sadd.s32 $0x80, s25;
	s26 =	sadd.s32 $0x60, s24;
	v10 =	vld [tilespmem:s23+$0xFFFFFFC0];
	v12 =	vsel vm12, v12, v11;
	v11 =	vsel vm12, v14, v13  }
0x91: {  	vm12 =	vgt.f32 v8, v12  }
0x92: {  	v13 =	vld [tilespmem:s23+$0xFFFFFFD0];
	v8 =	vsel vm12, v8, v12  }
0x93: {  	vm13 =	vgt.f32 v9, v8  }
0x94: {  	v53 =	vld [tilespmem:s23+$0xFFFFFFE0];
	v8 =	vsel vm13, v9, v8  }
0x95: {  	vm14 =	vgt.f32 v10, v8  }
0x96: {  	v9 =	vld [tilespmem:s23+$0xFFFFFFF0];
	v8 =	vsel vm14, v10, v8  }
0x97: {  	vm15 =	vgt.f32 v13, v8  }
0x98: {  	v10 =	vld [tilespmem:s23+$0x0];
	v8 =	vsel vm15, v13, v8  }
0x99: {  	vm0 =	vgt.f32 v53, v8  }
0x9a: {  	v54 =	vor.u32 s26, v1;
	s24 =	sadd.s32 $0x70, s24;
	v55 =	vld [tilespmem:s23+$0x10];
	v8 =	vsel vm0, v53, v8  }
0x9b: {  	v11 =	vsel vm12, v54, v11;
	v56 =	vor.u32 s24, v1;
	vm12 =	vgt.f32 v9, v8  }
0x9c: {  	v57 =	vor.u32 s22, v1;
	s0 =	sadd.s32 $0x10, s22;
	v11 =	vsel vm13, v56, v11;
	v8 =	vsel vm12, v9, v8;
	v9 =	vld [tilespmem:s23+$0x20]  }
0x9d: {  	s25 =	sadd.s32 $0x20, s22;
	v58 =	vor.u32 s0, v1;
	v11 =	vsel vm14, v57, v11;
	vm13 =	vgt.f32 v10, v8  }
0x9e: {  	s26 =	sadd.s32 $0x30, s22;
	v59 =	vor.u32 s25, v1;
	v11 =	vsel vm15, v58, v11;
	v8 =	vsel vm13, v10, v8;
	v10 =	vld [tilespmem:s23+$0x30]  }
0x9f: {  	s28 =	sadd.s32 $0x40, s22;
	v60 =	vor.u32 s26, v1;
	v11 =	vsel vm0, v59, v11;
	vm0 =	vgt.f32 v55, v8  }
0xa0: {  	s29 =	sadd.s32 $0x50, s22;
	v61 =	vor.u32 s28, v1;
	v11 =	vsel vm12, v60, v11;
	v8 =	vsel vm0, v55, v8  }
0xa1: {  	s30 =	sadd.s32 $0x60, s22;
	v62 =	vor.u32 s29, v1;
	v11 =	vsel vm13, v61, v11;
	vm12 =	vgt.f32 v9, v8  }
0xa2: {  	s31 =	sadd.s32 $0x70, s22;
	v63 =	vor.u32 s30, v1;
	v11 =	vsel vm0, v62, v11;
	v8 =	vsel vm12, v9, v8  }
0xa3: {  	v9 =	vsel vm12, v63, v11;
	v11 =	vor.u32 s31, v1;
	vm0 =	vgt.f32 v10, v8  }
0xa4: {  	vm14 =	vcmask $0x1714;
	v8 =	vsel vm0, v10, v8;
	v9 =	vsel vm0, v11, v9  }
.LBB2_6:
0xa5: {  	v10 =	vperm.xlane v8, v2;
	v11 =	vperm.xlane v9, v2;
	_ =	sdelay $0x1  }
0xa6: {  	vm0 =	veq.f32 v10, v8;
	vm12 =	vlt.s32 v11, v9  }
0xa7: {  	vm13 =	vgt.f32 v10, v8;
	vm0 =	vmand vm0, vm12  }
0xa8: {  	vm0 =	vmor vm13, vm0  }
0xa9: {  	v8 =	vsel vm0, v10, v8;
	v9 =	vsel vm0, v11, v9  }
0xaa: {  	v10 =	vperm.xlane v8, v3;
	v11 =	vperm.xlane v9, v3;
	_ =	sdelay $0x1  }
0xab: {  	vm0 =	veq.f32 v10, v8;
	vm12 =	vlt.s32 v11, v9  }
0xac: {  	vm13 =	vgt.f32 v10, v8;
	vm0 =	vmand vm0, vm12  }
0xad: {  	vm0 =	vmor vm13, vm0  }
0xae: {  	v8 =	vsel vm0, v10, v8;
	v9 =	vsel vm0, v11, v9  }
0xaf: {  	v10 =	vperm.xlane v8, v4;
	v11 =	vperm.xlane v9, v4;
	_ =	sdelay $0x1  }
0xb0: {  	vm0 =	veq.f32 v10, v8;
	vm12 =	vlt.s32 v11, v9  }
0xb1: {  	vm13 =	vgt.f32 v10, v8;
	vm0 =	vmand vm0, vm12  }
0xb2: {  	vm0 =	vmor vm13, vm0  }
0xb3: {  	v8 =	vsel vm0, v10, v8;
	v9 =	vsel vm0, v11, v9  }
0xb4: {  	v10 =	vperm.xlane v8, v5;
	v11 =	vperm.xlane v9, v5;
	_ =	sdelay $0x1  }
0xb5: {  	vm0 =	veq.f32 v10, v8;
	vm12 =	vlt.s32 v11, v9  }
0xb6: {  	vm13 =	vgt.f32 v10, v8;
	vm0 =	vmand vm0, vm12  }
0xb7: {  	vm0 =	vmor vm13, vm0  }
0xb8: {  	v9 =	vsel vm0, v11, v9  }
0xb9: {  	(v2sf) =	vpush v9, $0x0;
	_ =	sdelay $0xe  }
0xba: {  	s22 =	spop (v2sf)  }
0xbb: {  	v9 =	vld.msk [tilespmem:s22+$0x1400 ss:$0x0], $0xffff  }
0xbc: {  	v11 =	vld.msk [tilespmem:s22+$0xF00 ss:$0x0], $0xffff  }
0xbd: {  	v12 =	vld.msk [tilespmem:s22+$0xA00 ss:$0x0], $0xffff  }
0xbe: {  	v13 =	vld.msk [tilespmem:s22+$0x500 ss:$0x0], $0xffff  }
0xbf: {  	v14 =	vld.msk [tilespmem:s22+$0x0 ss:$0x0], $0xffff  }
0xc0: {  	v9 =	vnsel vm14, $0x0, v9  }
0xc1: {  	v9 =	vsel vm1, v9, v11  }
0xc2: {  	v9 =	vsel vm2, v9, v12  }
0xc3: {  	s26 =	sshll.u32 s21, $0x8;
	v9 =	vsel vm3, v9, v13  }
0xc4: {  	v8 =	vsel vm0, v10, v8;
	s22 =	sand.u32 $0x100, s26;
	v9 =	vsel vm4, v9, v14  }
0xc5: {  	s22 =	sadd.s32 s22, s1;
	v8 =	vsel vm5, v8, v9  }
0xc6: {  	s23 =	sadd.s32 s17, s22;
	[tilespmem:$0x2300] =	vst v8  }
0xc7: {  	[spmem:s23] =	stream.linear.scatter [tilespmem:s18], [sflag:$0x1], $0x10, $0x38;
	[tilespmem:$0x2BA0] =	vst v63  }
0xc8: {  	_ =	swait.ge [sflag:s11], $0x10  }
0xc9: {  	[sflag:s11] =	ssyncset.done $0x0  }
0xca: {  	[sflag:s11] =	ssyncadd.s32 $0xFFFFFFF0  }
0xcb: {  	[bflag:$0x0] =	sbarrier.arrive $0xFFFF  }
0xcc: {  	[tilespmem:s19], [sflag:$0x1] =	stream.linear.gather [spmem:s22], $0x100, $0x38;
	[tilespmem:$0x2BA0] =	vst v63  }
0xcd: {  	_ =	swait.ge [sflag:s11], $0x100  }
0xce: {  	v0 =	vld [tilespmem:$0x1FFF0];
	_ =	sdelay $0x5  }
0xcf: {  	[sflag:s11] =	ssyncset.done $0x0  }
0xd0: {  	[sflag:s11] =	ssyncadd.s32 $0xFFFFFF00  }
0xd1: {  	v8 =	vld.idx.msk [tilespmem:v0+s19+$0x0], $0xffff;
	_ =	sdelay $0x4  }
0xd2: {  	v9 =	vperm.xlane v8, v2;
	_ =	sdelay $0x1  }
0xd3: {  	vm0 =	veq.f32 v9, v8  }
0xd4: {  	vm12 =	vgt.f32 v9, v8;
	vm0 =	vmand vm0, vm6  }
0xd5: {  	vm0 =	vmor vm12, vm0  }
0xd6: {  	v8 =	vsel vm0, v9, v8;
	v9 =	vsel vm0, v7, v1  }
0xd7: {  	v10 =	vperm.xlane v8, v3;
	v11 =	vperm.xlane v9, v3;
	_ =	sdelay $0x1  }
0xd8: {  	vm0 =	veq.f32 v10, v8;
	vm12 =	vlt.s32 v11, v9  }
0xd9: {  	vm13 =	vgt.f32 v10, v8;
	vm0 =	vmand vm0, vm12  }
0xda: {  	vm0 =	vmor vm13, vm0  }
0xdb: {  	v8 =	vsel vm0, v10, v8;
	v9 =	vsel vm0, v11, v9  }
0xdc: {  	v10 =	vperm.xlane v8, v4;
	v11 =	vperm.xlane v9, v4;
	_ =	sdelay $0x1  }
0xdd: {  	vm0 =	veq.f32 v10, v8;
	vm12 =	vlt.s32 v11, v9  }
0xde: {  	vm13 =	vgt.f32 v10, v8;
	vm0 =	vmand vm0, vm12  }
0xdf: {  	vm0 =	vmor vm13, vm0  }
0xe0: {  	v8 =	vsel vm0, v10, v8;
	v9 =	vsel vm0, v11, v9  }
0xe1: {  	v10 =	vperm.xlane v8, v5;
	v11 =	vperm.xlane v9, v5;
	_ =	sdelay $0x1  }
0xe2: {  	vm0 =	veq.f32 v10, v8;
	vm12 =	vlt.s32 v11, v9  }
0xe3: {  	vm13 =	vgt.f32 v10, v8;
	vm0 =	vmand vm0, vm12  }
0xe4: {  	vm0 =	vmor vm13, vm0  }
0xe5: {  	v8 =	vsel vm0, v11, v9  }
0xe6: {  	(v2sf) =	vpush v8, $0x0;
	_ =	sdelay $0xe  }
0xe7: {  	s31 =	spop (v2sf)  }
0xe8: {  	s22 =	sshll.u32 s31, $0x6  }
0xe9: {  	s22 =	sshra.s32 s22, $0x2  }
0xea: {  	v8 =	vld [tilespmem:s22+$0x2380];
	_ =	sdelay $0x4  }
0xeb: {  	v11 =	vbroadcast @!p0 v8, $0x5  }
0xec: {  	v9 =	vbroadcast v8, $0x4  }
0xed: {  	v10 =	vbroadcast v8, $0x3;
	v12 =	vnsel @!p0 vm7, $0x0, v11  }
0xee: {  	v11 =	vbroadcast v8, $0x2;
	v13 =	vsel @!p0 vm8, v12, v9  }
0xef: {  	v12 =	vbroadcast v8, $0x1;
	v8 =	vsel @!p0 vm9, v13, v10  }
0xf0: {  	s22 =	sshll.u32 @!p0 s21, $0x4;
	v8 =	vsel @!p0 vm10, v8, v11  }
0xf1: {  	s22 =	sand.u32 @!p0 $0x3FFFFFF0, s22;
	v8 =	vsel @!p0 vm11, v12, v8  }
0xf2: {  	s0 =	simm.s32 $0x1E40;
	[tilespmem:s22+$0x2500] =	vst @!p0 v8  }
0xf3: {  	v14 =	vld [tilespmem:s0+$0x20]  }
0xf4: {  	s25 =	simm.s32 $0x40;
	v15 =	vld [tilespmem:s0+$0x10]  }
0xf5: {  	s26 =	simm.s32 $0x540;
	v17 =	vld [tilespmem:s25+$0x30]  }
0xf6: {  	s24 =	simm.s32 $0xA40;
	v18 =	vld [tilespmem:s26+$0x30]  }
0xf7: {  	s31 =	simm.s32 $0xF40;
	v19 =	vld [tilespmem:s24+$0x30]  }
0xf8: {  	v20 =	vld [tilespmem:s31+$0x30]  }
0xf9: {  	v21 =	vld [tilespmem:s0+$0x0]  }
0xfa: {  	v22 =	vld [tilespmem:s25+$0x20]  }
0xfb: {  	v23 =	vld [tilespmem:s26+$0x20]  }
0xfc: {  	v24 =	vld [tilespmem:s24+$0x20]  }
0xfd: {  	v25 =	vld [tilespmem:s31+$0x20]  }
0xfe: {  	v27 =	vld [tilespmem:s25+$0x10]  }
0xff: {  	v28 =	vld [tilespmem:s26+$0x10]  }
0x100: {  	v29 =	vld [tilespmem:s24+$0x10]  }
0x101: {  	v30 =	vld [tilespmem:s31+$0x10]  }
0x102: {  	v31 =	vld [tilespmem:s0+$0xFFFFFFE0]  }
0x103: {  	v32 =	vld [tilespmem:s25+$0x0]  }
0x104: {  	v33 =	vld [tilespmem:s26+$0x0]  }
0x105: {  	v34 =	vld [tilespmem:s24+$0x0]  }
0x106: {  	v35 =	vld [tilespmem:s31+$0x0]  }
0x107: {  	v36 =	vld [tilespmem:s0+$0xFFFFFFD0]  }
0x108: {  	v13 =	vsub.f32 v9, v11;
	v8 =	vsub.f32 v10, v12;
	v37 =	vld [tilespmem:s25+$0xFFFFFFF0]  }
0x109: {  	v38 =	vld [tilespmem:s26+$0xFFFFFFF0]  }
0x10a: {  	v39 =	vld [tilespmem:s24+$0xFFFFFFF0];
	v8 =	vmul.f32 v13, v8  }
0x10b: {  	s30 =	simm.s32 $0x40;
	v40 =	vld [tilespmem:s31+$0xFFFFFFF0]  }
0x10c: {  	v58 =	vor.u32 s30, v1;
	v41 =	vld [tilespmem:s0+$0xFFFFFFC0];
	v43 =	vadd.f32 v15, v8;
	v16 =	vadd.f32 v14, v8  }
0x10d: {  	v42 =	vld [tilespmem:s25+$0xFFFFFFE0];
	v14 =	vmax.f32 v12, v17;
	v17 =	vmax.f32 v11, v18;
	v18 =	vmin.f32 v10, v19  }
0x10e: {  	v44 =	vld [tilespmem:s31+$0xFFFFFFE0];
	v19 =	vmin.f32 v9, v20;
	v21 =	vadd.f32 v21, v8;
	v22 =	vmax.f32 v12, v22  }
0x10f: {  	v45 =	vld [tilespmem:s25+$0xFFFFFFD0];
	v23 =	vmax.f32 v11, v23;
	v24 =	vmin.f32 v10, v24;
	v25 =	vmin.f32 v9, v25  }
0x110: {  	v46 =	vld [tilespmem:s26+$0xFFFFFFD0];
	v27 =	vmax.f32 v12, v27;
	v28 =	vmax.f32 v11, v28;
	v29 =	vmin.f32 v10, v29  }
0x111: {  	v47 =	vld [tilespmem:s25+$0xFFFFFFC0];
	v31 =	vadd.f32 v31, v8;
	v32 =	vmax.f32 v12, v32;
	v30 =	vmin.f32 v9, v30  }
0x112: {  	v48 =	vld [tilespmem:s26+$0xFFFFFFC0];
	v33 =	vmax.f32 v11, v33;
	v34 =	vmin.f32 v10, v34;
	v35 =	vmin.f32 v9, v35  }
0x113: {  	v49 =	vld [tilespmem:s24+$0xFFFFFFC0];
	v36 =	vadd.f32 v36, v8;
	v37 =	vmax.f32 v12, v37;
	v38 =	vmax.f32 v11, v38  }
0x114: {  	v50 =	vld [tilespmem:s31+$0xFFFFFFC0];
	v41 =	vadd.f32 v41, v8;
	v39 =	vmin.f32 v10, v39;
	v40 =	vmin.f32 v9, v40  }
0x115: {  	v52 =	vld [tilespmem:s31+$0xFFFFFFD0];
	v42 =	vmax.f32 v12, v42;
	v45 =	vmax.f32 v12, v45;
	v46 =	vmax.f32 v11, v46  }
0x116: {  	v51 =	vld [tilespmem:s24+$0xFFFFFFD0];
	v44 =	vmin.f32 v9, v44;
	v47 =	vmax.f32 v12, v47;
	v18 =	vsub.f32 v18, v14  }
0x117: {  	v19 =	vsub.f32 v19, v17;
	v14 =	vmax.f32 v11, v48;
	v22 =	vsub.f32 v24, v22  }
0x118: {  	v20 =	vld [tilespmem:s24+$0xFFFFFFE0];
	v23 =	vsub.f32 v25, v23;
	v17 =	vmin.f32 v10, v49;
	v24 =	vsub.f32 v29, v27  }
0x119: {  	v15 =	vld [tilespmem:s26+$0xFFFFFFE0];
	v25 =	vsub.f32 v30, v28;
	v27 =	vmin.f32 v9, v50;
	v28 =	vsub.f32 v34, v32  }
0x11a: {  	v29 =	vsub.f32 v35, v33;
	v30 =	vmin.f32 v9, v52;
	v17 =	vsub.f32 v17, v47  }
0x11b: {  	v14 =	vsub.f32 v27, v14;
	v27 =	vmin.f32 v10, v51;
	v30 =	vsub.f32 v30, v46  }
0x11c: {  	v49 =	vsub.f32 v39, v37;
	v27 =	vsub.f32 v27, v45;
	v17 =	vmax.f32 v17, $0.0e+00  }
0x11d: {  	s22 =	simm.s32 $0x1940;
	v26 =	vld [tilespmem:s0+$0xFFFFFFF0];
	v14 =	vmax.f32 v14, $0.0e+00;
	v30 =	vmax.f32 v30, $0.0e+00;
	v20 =	vmin.f32 v10, v20  }
0x11e: {  	v53 =	vld [tilespmem:s22+$0x0];
	v15 =	vmax.f32 v11, v15;
	v50 =	vmul.f32 v14, v17;
	v17 =	vsub.f32 v20, v42  }
0x11f: {  	v54 =	vld [tilespmem:s22+$0xFFFFFFF0];
	v27 =	vmax.f32 v27, $0.0e+00;
	v20 =	vsub.f32 v40, v38;
	v51 =	vsub.f32 v44, v15  }
0x120: {  	v55 =	vld [tilespmem:s22+$0xFFFFFFE0];
	v27 =	vmul.f32 v30, v27;
	v30 =	vmax.f32 v49, $0.0e+00;
	v52 =	vsub.f32 v41, v50  }
0x121: {  	v56 =	vld [tilespmem:s22+$0xFFFFFFC0];
	v17 =	vmax.f32 v17, $0.0e+00;
	v34 =	vmax.f32 v51, $0.0e+00;
	v20 =	vmax.f32 v20, $0.0e+00  }
0x122: {  	s28 =	simm.s32 $0xAC0;
	v57 =	vld [tilespmem:s0+$0x30];
	v36 =	vsub.f32 v36, v27;
	v35 =	vadd.f32 $9.999999710e-10, v52;
	v34 =	vmul.f32 v34, v17  }
0x123: {  	v6 =	vld [tilespmem:s28+$0xFFFFFFE0];
	v26 =	vadd.f32 v26, v8;
	v24 =	vmax.f32 v24, $0.0e+00;
	v20 =	vmul.f32 v20, v30  }
0x124: {  	s23 =	simm.s32 $0x1EC0;
	v32 =	vld [tilespmem:s22+$0x10];
	v30 =	vadd.f32 $9.999999710e-10, v36;
	v31 =	vsub.f32 v31, v34;
	(erf) = vrcp.f32 v35  }
0x125: {  	s26 =	simm.s32 $0x5C0;
	v48 =	vld [tilespmem:s23+$0xFFFFFFF0];
	v25 =	vmax.f32 v25, $0.0e+00;
	v22 =	vmax.f32 v22, $0.0e+00;
	v23 =	vmax.f32 v23, $0.0e+00  }
0x126: {  	s29 =	simm.s32 $0xFC0;
	v0 =	vld [tilespmem:s26+$0xFFFFFFE0];
	v18 =	vmax.f32 v18, $0.0e+00;
	(erf) = vrcp.f32 v30;
	v31 =	vadd.f32 $9.999999710e-10, v31  }
0x127: {  	v37 =	vld [tilespmem:s29+$0xFFFFFFE0];
	v17 =	vmax.f32 v28, $0.0e+00;
	v28 =	vmax.f32 v29, $0.0e+00;
	v26 =	vsub.f32 v26, v20  }
0x128: {  	s24 =	simm.s32 $0xC0;
	v47 =	vld [tilespmem:s28+$0x20];
	v19 =	vmax.f32 v19, $0.0e+00;
	v28 =	vmul.f32 v28, v17;
	(erf) = vrcp.f32 v31  }
0x129: {  	v46 =	vld [tilespmem:s24+$0xFFFFFFD0];
	v24 =	vmul.f32 v25, v24;
	v22 =	vmul.f32 v23, v22;
	v26 =	vadd.f32 $9.999999710e-10, v26  }
0x12a: {  	v45 =	vld [tilespmem:s26+$0x0];
	v18 =	vmul.f32 v19, v18;
	v19 =	vadd.f32 v57, v8;
	v21 =	vsub.f32 v21, v28  }
0x12b: {  	s30 =	simm.s32 $0x20;
	v25 =	vld [tilespmem:s23+$0x10];
	v16 =	vsub.f32 v16, v22;
	v31 =	vsub.f32 v43, v24;
	(erf) = vrcp.f32 v26  }
0x12c: {  	v60 =	vor.u32 s30, v1;
	v23 =	vld [tilespmem:s26+$0x30];
	v19 =	vsub.f32 v19, v18;
	v21 =	vadd.f32 $9.999999710e-10, v21  }
0x12d: {  	v13 =	vimm.f32 $-Inf;
	v14 =	vld [tilespmem:s22+$0x30];
	v16 =	vadd.f32 $9.999999710e-10, v16;
	v31 =	vadd.f32 $9.999999710e-10, v31;
	v59 =	vpop (erf)  }
0x12e: {  	s0 =	simm.s32 $0x0;
	v19 =	vadd.f32 $9.999999710e-10, v19;
	v29 =	vld [tilespmem:s22+$0xFFFFFFD0];
	(erf) = vrcp.f32 v21;
	v33 =	vmul.f32 v59, v50  }
0x12f: {  	v15 =	vld [tilespmem:s22+$0x20];
	v26 =	vimm.s32 $0x0;
	v21 =	vor.u32 s0, v1;
	(erf) = vrcp.f32 v31;
	v61 =	vpop (erf)  }
0x130: {  	s31 =	simm.s32 $0x50;
	(erf) = vrcp.f32 v16;
	v27 =	vmul.f32 v61, v27;
	v61 =	vld [tilespmem:s29+$0xFFFFFFF0];
	vm0 =	vgt.f32 v33, $5.000000000e-01  }
0x131: {  	v40 =	vld [tilespmem:s28+$0x30];
	v31 =	vor.u32 s31, v1;
	v35 =	vsel vm0, $0xFF800000, v56;
	v62 =	vpop (erf);
	(erf) = vrcp.f32 v19  }
0x132: {  	v44 =	vld [tilespmem:s24+$0x20];
	s0 =	simm.s32 $0x30;
	vm12 =	vgt.f32 v27, $5.000000000e-01;
	vm0 =	vgt.f32 v35, v13;
	v19 =	vmul.f32 v62, v34  }
0x133: {  	v49 =	vld [tilespmem:s26+$0x10];
	s31 =	simm.s32 $0x10;
	v16 =	vor.u32 s0, v1;
	v29 =	vsel vm12, $0xFF800000, v29;
	v13 =	vsel vm0, v35, v13  }
0x134: {  	v38 =	vld [tilespmem:s24+$0x0];
	v27 =	vor.u32 s31, v1;
	v63 =	vpop (erf);
	vm12 =	vgt.f32 v29, v13;
	vm13 =	vgt.f32 v19, $5.000000000e-01  }
0x135: {  	v36 =	vld [tilespmem:s29+$0x30];
	[tilespmem:s22+$0xFFFFFFC0] =	vst v35;
	v19 =	vmul.f32 v63, v20;
	v20 =	vsel vm0, v21, v26;
	v35 =	vmin.f32 v9, v61  }
0x136: {  	v43 =	vld [tilespmem:s26+$0x20];
	v13 =	vsel vm12, v29, v13;
	v39 =	vsel vm13, $0xFF800000, v55;
	v20 =	vsel vm12, v27, v20  }
0x137: {  	[tilespmem:s22+$0xFFFFFFD0] =	vst v29;
	v26 =	vpop (erf);
	v63 =	vld [tilespmem:s24+$0xFFFFFFE0];
	v29 =	vmin.f32 v10, v47;
	vm0 =	vgt.f32 v39, v13;
	vm13 =	vgt.f32 v19, $5.000000000e-01  }
0x138: {  	v30 =	vld [tilespmem:s24+$0x30];
	v19 =	vmul.f32 v26, v28;
	v13 =	vsel vm0, v39, v13;
	v28 =	vsel vm13, $0xFF800000, v54  }
0x139: {  	v50 =	vld [tilespmem:s29+$0x10];
	v26 =	vpop (erf);
	[tilespmem:s22+$0xFFFFFFE0] =	vst v39;
	v20 =	vsel vm0, v60, v20;
	v39 =	vmax.f32 v11, v45;
	v45 =	vmin.f32 v10, v6  }
0x13a: {  	v33 =	vld [tilespmem:s29+$0x20];
	vm12 =	vgt.f32 v28, v13;
	vm13 =	vgt.f32 v19, $5.000000000e-01;
	v19 =	vmul.f32 v26, v24  }
0x13b: {  	v62 =	vld [tilespmem:s23+$0xFFFFFFC0];
	v26 =	vmax.f32 v11, v43;
	v13 =	vsel vm12, v28, v13;
	v51 =	vsel vm13, $0xFF800000, v53  }
0x13c: {  	v55 =	vld [tilespmem:s23+$0xFFFFFFD0];
	v24 =	vpop (erf);
	v16 =	vsel vm12, v16, v20;
	v43 =	vmax.f32 v12, v63;
	vm0 =	vgt.f32 v51, v13  }
0x13d: {  	v21 =	vld [tilespmem:s28+$0x10];
	vm13 =	vgt.f32 v19, $5.000000000e-01;
	v19 =	vmul.f32 v24, v22;
	v22 =	vmin.f32 v10, v40  }
0x13e: {  	v27 =	vld [tilespmem:s23+$0xFFFFFFE0];
	v20 =	vpop (erf);
	v24 =	vmin.f32 v9, v36;
	v40 =	vmin.f32 v9, v50;
	v36 =	vmax.f32 v11, v0  }
0x13f: {  	v41 =	vld [tilespmem:s23+$0x0];
	v13 =	vsel vm0, v51, v13;
	v54 =	vsel vm13, $0xFF800000, v32;
	v18 =	vmul.f32 v20, v18  }
0x140: {  	v34 =	vld [tilespmem:s24+$0x10];
	v16 =	vsel vm0, v58, v16;
	v20 =	vmax.f32 v11, v23;
	v32 =	vmax.f32 v11, v49  }
0x141: {  	v56 =	vld [tilespmem:s24+$0xFFFFFFF0];
	v23 =	vadd.f32 v55, v8;
	vm12 =	vgt.f32 v54, v13;
	vm13 =	vgt.f32 v19, $5.000000000e-01  }
0x142: {  	v53 =	vld [tilespmem:s29+$0x0];
	v19 =	vmax.f32 v12, v30;
	v30 =	vmin.f32 v9, v33;
	v33 =	vmin.f32 v10, v21  }
0x143: {  	v52 =	vld [tilespmem:s28+$0x0];
	v21 =	vadd.f32 v27, v8;
	v27 =	vadd.f32 v62, v8;
	v13 =	vsel vm12, v54, v13  }
0x144: {  	s0 =	simm.s32 $0x60;
	v59 =	vld [tilespmem:s28+$0xFFFFFFF0];
	v57 =	vsel vm13, $0xFF800000, v15;
	v15 =	vsel vm12, v31, v16;
	vm12 =	vgt.f32 v18, $5.000000000e-01  }
0x145: {  	v58 =	vld [tilespmem:s26+$0xFFFFFFF0];
	v16 =	vor.u32 s0, v1;
	v18 =	vadd.f32 v48, v8;
	v31 =	vmax.f32 v12, v34  }
0x146: {  	v17 =	vld [tilespmem:s23+$0x20];
	v34 =	vmax.f32 v12, v38;
	v38 =	vmax.f32 v12, v56;
	vm0 =	vgt.f32 v57, v13  }
0x147: {  	s31 =	simm.s32 $0x70;
	v47 =	vld [tilespmem:s26+$0xFFFFFFD0];
	[tilespmem:s22+$0xFFFFFFF0] =	vst v28;
	v60 =	vsel vm12, $0xFF800000, v14;
	v42 =	vmin.f32 v9, v53;
	v13 =	vsel vm0, v57, v13  }
0x148: {  	[tilespmem:s22+$0x0] =	vst v51;
	v48 =	vld [tilespmem:s24+$0xFFFFFFC0];
	v14 =	vsel vm0, v16, v15;
	v15 =	vor.u32 s31, v1;
	v16 =	vadd.f32 v25, v8  }
0x149: {  	v49 =	vld [tilespmem:s26+$0xFFFFFFC0];
	[tilespmem:s22+$0x10] =	vst v54;
	v25 =	vmax.f32 v12, v44;
	v44 =	vmin.f32 v10, v59;
	vm0 =	vgt.f32 v60, v13  }
0x14a: {  	v50 =	vld [tilespmem:s28+$0xFFFFFFC0];
	[tilespmem:s22+$0x20] =	vst v57;
	v28 =	vmax.f32 v11, v58;
	v13 =	vsel vm0, v60, v13;
	v14 =	vsel vm0, v15, v14  }
0x14b: {  	s30 =	simm.s32 $0x100;
	s25 =	simm.s32 $0x80;
	v51 =	vld [tilespmem:s29+$0xFFFFFFC0];
	[tilespmem:s22+$0x30] =	vst v60;
	v15 =	vadd.f32 v17, v8;
	v17 =	vadd.f32 v41, v8;
	v41 =	vmin.f32 v10, v52  }
.LBB2_7:
0x14c: {  	p1 =	slt.u32 s30, $0x480;
	v0 =	vld [tilespmem:s28+$0xFFFFFFD0];
	v6 =	vmax.f32 v12, v46;
	v46 =	vmax.f32 v11, v47;
	v37 =	vmin.f32 v9, v37  }
0x14d: {  	v52 =	vsub.f32 v22, v19;
	v24 =	vsub.f32 v24, v20;
	v47 =	vmax.f32 v12, v48;
	v48 =	vld [tilespmem:s29+$0xFFFFFFD0]  }
0x14e: {  	v29 =	vsub.f32 v29, v25;
	v26 =	vsub.f32 v30, v26;
	v19 =	vmax.f32 v11, v49  }
0x14f: {  	v30 =	vsub.f32 v33, v31;
	v31 =	vsub.f32 v40, v32;
	v20 =	vmin.f32 v10, v50  }
0x150: {  	v32 =	vsub.f32 v41, v34;
	v33 =	vsub.f32 v42, v39;
	v22 =	vmin.f32 v9, v51  }
0x151: {  	v20 =	vsub.f32 v20, v47;
	v19 =	vsub.f32 v22, v19;
	v0 =	vmin.f32 v10, v0  }
0x152: {  	v22 =	vmin.f32 v9, v48;
	v0 =	vsub.f32 v0, v6;
	v6 =	vsub.f32 v44, v38  }
0x153: {  	s22 =	sadd.s32 $0x80, s22;
	v20 =	vmax.f32 v20, $0.0e+00;
	v19 =	vmax.f32 v19, $0.0e+00;
	v22 =	vsub.f32 v22, v46  }
0x154: {  	v25 =	vsub.f32 v45, v43;
	v28 =	vsub.f32 v35, v28;
	v34 =	vmul.f32 v19, v20;
	v19 =	vld [tilespmem:s22+$0x30]  }
0x155: {  	v35 =	vsub.f32 v37, v36;
	v0 =	vmax.f32 v0, $0.0e+00;
	v22 =	vmax.f32 v22, $0.0e+00;
	v20 =	vld [tilespmem:s22+$0x20]  }
0x156: {  	v6 =	vmax.f32 v6, $0.0e+00;
	v27 =	vsub.f32 v27, v34;
	v0 =	vmul.f32 v22, v0;
	v22 =	vld [tilespmem:s22+$0x10]  }
0x157: {  	v36 =	vmax.f32 v25, $0.0e+00;
	v28 =	vmax.f32 v28, $0.0e+00;
	v35 =	vmax.f32 v35, $0.0e+00;
	v25 =	vld [tilespmem:s22+$0x0]  }
0x158: {  	v35 =	vmul.f32 v35, v36;
	v27 =	vadd.f32 $9.999999710e-10, v27;
	v23 =	vsub.f32 v23, v0;
	v36 =	vld [tilespmem:s22+$0xFFFFFFF0]  }
0x159: {  	v6 =	vmul.f32 v28, v6;
	v28 =	vmax.f32 v32, $0.0e+00;
	v32 =	vmax.f32 v33, $0.0e+00;
	v37 =	vld [tilespmem:s22+$0xFFFFFFE0]  }
0x15a: {  	v21 =	vsub.f32 v21, v35;
	v33 =	vld [tilespmem:s22+$0xFFFFFFD0];
	v23 =	vadd.f32 $9.999999710e-10, v23;
	(erf) = vrcp.f32 v27  }
0x15b: {  	v32 =	vmul.f32 v32, v28;
	v28 =	vmax.f32 v31, $0.0e+00;
	v27 =	vmax.f32 v30, $0.0e+00;
	v38 =	vld [tilespmem:s22+$0xFFFFFFC0]  }
0x15c: {  	v31 =	vsub.f32 v18, v6;
	v30 =	vadd.f32 $9.999999710e-10, v21;
	v39 =	vld [tilespmem:s23+$0x30];
	s23 =	sadd.s32 $0x80, s23;
	(erf) = vrcp.f32 v23  }
0x15d: {  	v26 =	vmax.f32 v26, $0.0e+00;
	v40 =	vmul.f32 v28, v27;
	v23 =	vmax.f32 v29, $0.0e+00;
	v18 =	vld [tilespmem:s23+$0x20]  }
0x15e: {  	s24 =	sadd.s32 $0x80, s24;
	v27 =	vadd.f32 $9.999999710e-10, v31;
	v28 =	vsub.f32 v17, v32;
	v21 =	vld [tilespmem:s23+$0x10];
	(erf) = vrcp.f32 v30  }
0x15f: {  	s26 =	sadd.s32 $0x80, s26;
	v29 =	vmul.f32 v26, v23;
	v26 =	vmax.f32 v52, $0.0e+00;
	v30 =	vmax.f32 v24, $0.0e+00;
	v17 =	vld [tilespmem:s24+$0x30]  }
0x160: {  	s28 =	sadd.s32 $0x80, s28;
	v28 =	vadd.f32 $9.999999710e-10, v28;
	v16 =	vsub.f32 v16, v40;
	v23 =	vld [tilespmem:s26+$0x30];
	(erf) = vrcp.f32 v27  }
0x161: {  	s29 =	sadd.s32 $0x80, s29;
	v31 =	vor.u32 s25, v1;
	v30 =	vmul.f32 v30, v26;
	v24 =	vld [tilespmem:s28+$0x30];
	v39 =	vadd.f32 v39, v8  }
0x162: {  	s31 =	sadd.s32 $0x40, s25;
	s0 =	sadd.s32 $0x50, s25;
	v16 =	vadd.f32 $9.999999710e-10, v16;
	v15 =	vsub.f32 v15, v29;
	v26 =	vld [tilespmem:s29+$0x30];
	(erf) = vrcp.f32 v28  }
0x163: {  	v41 =	vor.u32 s31, v1;
	v42 =	vor.u32 s0, v1;
	v27 =	vld [tilespmem:s23+$0x0];
	v39 =	vsub.f32 v39, v30;
	v43 =	vpop (erf)  }
0x164: {  	s0 =	sadd.s32 $0x20, s25;
	s31 =	sadd.s32 $0x30, s25;
	v15 =	vadd.f32 $9.999999710e-10, v15;
	v28 =	vld [tilespmem:s24+$0x20];
	v34 =	vmul.f32 v43, v34;
	(erf) = vrcp.f32 v16  }
0x165: {  	v44 =	vor.u32 s31, v1;
	v16 =	vor.u32 s0, v1;
	v43 =	vld [tilespmem:s26+$0x20];
	v39 =	vadd.f32 $9.999999710e-10, v39;
	v45 =	vpop (erf)  }
0x166: {  	s0 =	sadd.s32 $0x10, s25;
	v46 =	vld [tilespmem:s28+$0x20];
	vm0 =	vgt.f32 v34, $5.000000000e-01;
	v0 =	vmul.f32 v45, v0;
	(erf) = vrcp.f32 v15  }
0x167: {  	v34 =	vld [tilespmem:s29+$0x20];
	v15 =	vsel vm0, $0xFF800000, v38;
	v38 =	vor.u32 s0, v1;
	v45 =	vpop (erf);
	(erf) = vrcp.f32 v39  }
0x168: {  	v39 =	vld [tilespmem:s23+$0xFFFFFFF0];
	[tilespmem:s22+$0xFFFFFFC0] =	vst v15;
	vm0 =	vgt.f32 v15, v13;
	vm12 =	vgt.f32 v0, $5.000000000e-01;
	v0 =	vmul.f32 v45, v35  }
0x169: {  	v35 =	vld [tilespmem:s24+$0x10];
	v13 =	vsel vm0, v15, v13;
	v14 =	vsel vm0, v31, v14;
	v15 =	vsel vm12, $0xFF800000, v33;
	v31 =	vpop (erf)  }
0x16a: {  	v33 =	vld [tilespmem:s26+$0x10];
	[tilespmem:s22+$0xFFFFFFD0] =	vst v15;
	vm0 =	vgt.f32 v15, v13;
	vm12 =	vgt.f32 v0, $5.000000000e-01;
	v0 =	vmul.f32 v31, v6  }
0x16b: {  	v6 =	vld [tilespmem:s28+$0x10];
	v13 =	vsel vm0, v15, v13;
	v14 =	vsel vm0, v38, v14;
	v15 =	vsel vm12, $0xFF800000, v37;
	v31 =	vpop (erf)  }
0x16c: {  	v38 =	vld [tilespmem:s29+$0x10];
	[tilespmem:s22+$0xFFFFFFE0] =	vst v15;
	vm0 =	vgt.f32 v15, v13;
	vm12 =	vgt.f32 v0, $5.000000000e-01;
	v0 =	vmul.f32 v31, v32  }
0x16d: {  	v45 =	vld [tilespmem:s23+$0xFFFFFFE0];
	v13 =	vsel vm0, v15, v13;
	v14 =	vsel vm0, v16, v14;
	v15 =	vsel vm12, $0xFF800000, v36;
	v16 =	vpop (erf)  }
0x16e: {  	v36 =	vld [tilespmem:s24+$0x0];
	[tilespmem:s22+$0xFFFFFFF0] =	vst v15;
	vm0 =	vgt.f32 v15, v13;
	vm12 =	vgt.f32 v0, $5.000000000e-01;
	v0 =	vmul.f32 v16, v40  }
0x16f: {  	v49 =	vld [tilespmem:s26+$0x0];
	v13 =	vsel vm0, v15, v13;
	v14 =	vsel vm0, v44, v14;
	v15 =	vsel vm12, $0xFF800000, v25;
	v16 =	vpop (erf)  }
0x170: {  	v44 =	vld [tilespmem:s28+$0x0];
	[tilespmem:s22+$0x0] =	vst v15;
	vm0 =	vgt.f32 v15, v13;
	vm12 =	vgt.f32 v0, $5.000000000e-01;
	v0 =	vmul.f32 v16, v29;
	v16 =	vpop (erf)  }
0x171: {  	v50 =	vld [tilespmem:s29+$0x0];
	v13 =	vsel vm0, v15, v13;
	v14 =	vsel vm0, v41, v14;
	v15 =	vsel vm12, $0xFF800000, v22  }
0x172: {  	v51 =	vld [tilespmem:s23+$0xFFFFFFD0];
	[tilespmem:s22+$0x10] =	vst v15;
	vm0 =	vgt.f32 v15, v13;
	vm12 =	vgt.f32 v0, $5.000000000e-01;
	v0 =	vmul.f32 v16, v30  }
0x173: {  	s0 =	sadd.s32 $0x60, s25;
	v52 =	vld [tilespmem:s24+$0xFFFFFFF0];
	v13 =	vsel vm0, v15, v13;
	v14 =	vsel vm0, v42, v14;
	v15 =	vsel vm12, $0xFF800000, v20  }
0x174: {  	v16 =	vor.u32 s0, v1;
	v53 =	vld [tilespmem:s26+$0xFFFFFFF0];
	[tilespmem:s22+$0x20] =	vst v15;
	vm0 =	vgt.f32 v15, v13;
	vm12 =	vgt.f32 v0, $5.000000000e-01  }
0x175: {  	s0 =	sadd.s32 $0x70, s25;
	s25 =	smov.u32 s30;
	v0 =	vld [tilespmem:s28+$0xFFFFFFF0];
	v13 =	vsel vm0, v15, v13;
	v14 =	vsel vm0, v16, v14;
	v15 =	vsel vm12, $0xFF800000, v19  }
0x176: {  	v16 =	vor.u32 s0, v1;
	v54 =	vld [tilespmem:s29+$0xFFFFFFF0];
	[tilespmem:s22+$0x30] =	vst v15;
	vm0 =	vgt.f32 v15, v13  }
0x177: {  	v55 =	vld [tilespmem:s23+$0xFFFFFFC0];
	v13 =	vsel vm0, v15, v13;
	v14 =	vsel vm0, v16, v14  }
0x178: {  	v19 =	vmax.f32 v12, v17;
	v16 =	vadd.f32 v21, v8;
	v15 =	vadd.f32 v18, v8;
	v56 =	vld [tilespmem:s24+$0xFFFFFFE0]  }
0x179: {  	v22 =	vmin.f32 v10, v24;
	v24 =	vmin.f32 v9, v26;
	v20 =	vmax.f32 v11, v23;
	v57 =	vld [tilespmem:s26+$0xFFFFFFE0]  }
0x17a: {  	v25 =	vmax.f32 v12, v28;
	v26 =	vmax.f32 v11, v43;
	v17 =	vadd.f32 v27, v8;
	v58 =	vld [tilespmem:s28+$0xFFFFFFE0]  }
0x17b: {  	v29 =	vmin.f32 v10, v46;
	v30 =	vmin.f32 v9, v34;
	v18 =	vadd.f32 v39, v8;
	v37 =	vld [tilespmem:s29+$0xFFFFFFE0]  }
0x17c: {  	v31 =	vmax.f32 v12, v35;
	v32 =	vmax.f32 v11, v33;
	v33 =	vmin.f32 v10, v6;
	v46 =	vld [tilespmem:s24+$0xFFFFFFD0]  }
.Ltmp2:
0x17d: {  	v40 =	vmin.f32 v9, v38;
	v34 =	vmax.f32 v12, v36;
	v21 =	vadd.f32 v45, v8;
	v47 =	vld [tilespmem:s26+$0xFFFFFFD0];
	(pc) =	sbr.rel @p1 .LBB2_7-.Ltmp2, $4  }
0x17e: {  	v41 =	vmin.f32 v10, v44;
	v42 =	vmin.f32 v9, v50;
	v39 =	vmax.f32 v11, v49;
	v48 =	vld [tilespmem:s24+$0xFFFFFFC0]  }
0x17f: {  	v23 =	vadd.f32 v51, v8;
	v38 =	vmax.f32 v12, v52;
	v28 =	vmax.f32 v11, v53;
	v49 =	vld [tilespmem:s26+$0xFFFFFFC0]  }
0x180: {  	v44 =	vmin.f32 v10, v0;
	v35 =	vmin.f32 v9, v54;
	v27 =	vadd.f32 v55, v8;
	v50 =	vld [tilespmem:s28+$0xFFFFFFC0]  }
0x181: {  	s30 =	sadd.s32 $0x80, s30;
	v43 =	vmax.f32 v12, v56;
	v36 =	vmax.f32 v11, v57;
	v45 =	vmin.f32 v10, v58;
	v51 =	vld [tilespmem:s29+$0xFFFFFFC0]  }
0x182: {  	v0 =	vld [tilespmem:s28+$0xFFFFFFD0];
	v6 =	vmax.f32 v12, v46;
	v19 =	vsub.f32 v22, v19;
	v20 =	vsub.f32 v24, v20  }
0x183: {  	v53 =	vmax.f32 v11, v47;
	v55 =	vld [tilespmem:s29+$0xFFFFFFD0];
	v56 =	vsub.f32 v29, v25;
	v57 =	vsub.f32 v30, v26  }
0x184: {  	v37 =	vmin.f32 v9, v37;
	v59 =	vsub.f32 v33, v31;
	v60 =	vsub.f32 v40, v32  }
0x185: {  	v62 =	vsub.f32 v41, v34;
	v63 =	vsub.f32 v42, v39;
	v54 =	vmax.f32 v12, v48  }
0x186: {  	v11 =	vmax.f32 v11, v49;
	v58 =	vmin.f32 v10, v50;
	v61 =	vmin.f32 v9, v51  }
0x187: {  	v12 =	vsub.f32 v58, v54;
	v11 =	vsub.f32 v61, v11;
	v0 =	vmin.f32 v10, v0  }
0x188: {  	v30 =	vsub.f32 v35, v28;
	v9 =	vmin.f32 v9, v55;
	v0 =	vsub.f32 v0, v6  }
0x189: {  	v10 =	vmax.f32 v12, $0.0e+00;
	v9 =	vsub.f32 v9, v53;
	v11 =	vmax.f32 v11, $0.0e+00  }
0x18a: {  	v33 =	vsub.f32 v37, v36;
	v6 =	vsub.f32 v44, v38;
	v10 =	vmul.f32 v11, v10  }
0x18b: {  	v11 =	vsub.f32 v45, v43;
	v0 =	vmax.f32 v0, $0.0e+00;
	v9 =	vmax.f32 v9, $0.0e+00  }
0x18c: {  	v12 =	vmax.f32 v30, $0.0e+00;
	v0 =	vmul.f32 v9, v0;
	v27 =	vsub.f32 v27, v10  }
0x18d: {  	v6 =	vmax.f32 v6, $0.0e+00;
	v9 =	vmax.f32 v11, $0.0e+00;
	v11 =	vmax.f32 v33, $0.0e+00  }
0x18e: {  	v23 =	vsub.f32 v23, v0;
	v9 =	vmul.f32 v11, v9;
	v34 =	vadd.f32 $9.999999710e-10, v27  }
0x18f: {  	v35 =	vmax.f32 v63, $0.0e+00;
	v36 =	vmax.f32 v59, $0.0e+00;
	v6 =	vmul.f32 v12, v6  }
0x190: {  	v23 =	vadd.f32 $9.999999710e-10, v23;
	v21 =	vsub.f32 v21, v9;
	(erf) = vrcp.f32 v34  }
0x191: {  	v37 =	vmax.f32 v60, $0.0e+00;
	v11 =	vmax.f32 v62, $0.0e+00;
	v18 =	vsub.f32 v18, v6  }
0x192: {  	v38 =	vld [tilespmem:s23+$0x30];
	v11 =	vmul.f32 v35, v11;
	v21 =	vadd.f32 $9.999999710e-10, v21;
	(erf) = vrcp.f32 v23  }
0x193: {  	v22 =	vmax.f32 v56, $0.0e+00;
	v39 =	vmax.f32 v57, $0.0e+00;
	v12 =	vmul.f32 v37, v36  }
0x194: {  	v18 =	vadd.f32 $9.999999710e-10, v18;
	v17 =	vsub.f32 v17, v11;
	(erf) = vrcp.f32 v21  }
0x195: {  	v19 =	vmax.f32 v19, $0.0e+00;
	v20 =	vmax.f32 v20, $0.0e+00;
	v40 =	vmul.f32 v39, v22  }
0x196: {  	v16 =	vsub.f32 v16, v12;
	v17 =	vadd.f32 $9.999999710e-10, v17;
	(erf) = vrcp.f32 v18  }
0x197: {  	s22 =	sadd.s32 $0x80, s22;
	v41 =	vmul.f32 v20, v19;
	v8 =	vadd.f32 v38, v8  }
0x198: {  	s24 =	sadd.s32 $0x20, s25;
	s26 =	sadd.s32 $0x30, s25;
	v42 =	vld [tilespmem:s22+$0xFFFFFFC0];
	v15 =	vsub.f32 v15, v40;
	v16 =	vadd.f32 $9.999999710e-10, v16;
	(erf) = vrcp.f32 v17  }
0x199: {  	v47 =	vor.u32 s24, v1;
	v48 =	vor.u32 s26, v1;
	v8 =	vsub.f32 v8, v41;
	v45 =	vpop (erf)  }
0x19a: {  	s0 =	sadd.s32 $0x40, s25;
	s28 =	sadd.s32 $0x10, s25;
	v46 =	vld [tilespmem:s22+$0xFFFFFFD0];
	v15 =	vadd.f32 $9.999999710e-10, v15;
	(erf) = vrcp.f32 v16;
	v10 =	vmul.f32 v45, v10  }
0x19b: {  	v51 =	vor.u32 s28, v1;
	v44 =	vor.u32 s0, v1;
	v8 =	vadd.f32 $9.999999710e-10, v8;
	v49 =	vpop (erf)  }
0x19c: {  	v50 =	vld [tilespmem:s22+$0xFFFFFFE0];
	(erf) = vrcp.f32 v15;
	v0 =	vmul.f32 v49, v0;
	vm0 =	vgt.f32 v10, $5.000000000e-01  }
0x19d: {  	v43 =	vor.u32 s25, v1;
	v52 =	vpop (erf);
	(erf) = vrcp.f32 v8;
	v10 =	vsel vm0, $0xFF800000, v42  }
0x19e: {  	v8 =	vld [tilespmem:s22+$0xFFFFFFF0];
	vm12 =	vgt.f32 v0, $5.000000000e-01;
	v0 =	vmul.f32 v52, v9;
	vm0 =	vgt.f32 v10, v13  }
0x19f: {  	v55 =	vpop (erf);
	v54 =	vsel vm12, $0xFF800000, v46;
	v9 =	vsel vm0, v10, v13;
	v53 =	vsel vm0, v43, v14  }
0x1a0: {  	v56 =	vld [tilespmem:s22+$0x0];
	vm12 =	vgt.f32 v0, $5.000000000e-01;
	v0 =	vmul.f32 v55, v6;
	vm0 =	vgt.f32 v54, v9  }
0x1a1: {  	v58 =	vpop (erf);
	v57 =	vsel vm12, $0xFF800000, v50;
	v6 =	vsel vm0, v54, v9;
	v9 =	vsel vm0, v51, v53  }
0x1a2: {  	v59 =	vld [tilespmem:s22+$0x10];
	vm12 =	vgt.f32 v0, $5.000000000e-01;
	v0 =	vmul.f32 v58, v11;
	vm0 =	vgt.f32 v57, v6  }
0x1a3: {  	v8 =	vsel vm12, $0xFF800000, v8;
	v11 =	vpop (erf);
	v6 =	vsel vm0, v57, v6;
	v9 =	vsel vm0, v47, v9  }
0x1a4: {  	v60 =	vld [tilespmem:s22+$0x20];
	vm12 =	vgt.f32 v0, $5.000000000e-01;
	v0 =	vmul.f32 v11, v12;
	vm0 =	vgt.f32 v8, v6  }
0x1a5: {  	v61 =	vpop (erf);
	v11 =	vsel vm12, $0xFF800000, v56;
	v6 =	vsel vm0, v8, v6;
	v9 =	vsel vm0, v48, v9  }
0x1a6: {  	v62 =	vld [tilespmem:s22+$0x30];
	[tilespmem:s22+$0xFFFFFFC0] =	vst v10;
	vm12 =	vgt.f32 v0, $5.000000000e-01;
	v0 =	vmul.f32 v61, v40;
	vm0 =	vgt.f32 v11, v6  }
0x1a7: {  	s21 =	sadd.s32 $0x1, s21;
	[tilespmem:s22+$0xFFFFFFD0] =	vst v54;
	v10 =	vpop (erf);
	v63 =	vsel vm12, $0xFF800000, v59;
	v6 =	vsel vm0, v11, v6;
	v9 =	vsel vm0, v44, v9  }
0x1a8: {  	s29 =	sadd.s32 $0x50, s25;
	p1 =	sne.s32 s21, $0x64;
	[tilespmem:s22+$0xFFFFFFE0] =	vst v57;
	vm12 =	vgt.f32 v0, $5.000000000e-01;
	v0 =	vmul.f32 v10, v41;
	vm0 =	vgt.f32 v63, v6  }
.Ltmp3:
0x1a9: {  	[tilespmem:s22+$0xFFFFFFF0] =	vst v8;
	v10 =	vor.u32 s29, v1;
	v8 =	vsel vm12, $0xFF800000, v60;
	v6 =	vsel vm0, v63, v6;
	(pc) =	sbr.rel @p1 .LBB2_6-.Ltmp3, $4  }
0x1aa: {  	s30 =	sadd.s32 $0x60, s25;
	[tilespmem:s22+$0x0] =	vst v11;
	v9 =	vsel vm0, v10, v9;
	vm12 =	vgt.f32 v0, $5.000000000e-01;
	vm0 =	vgt.f32 v8, v6  }
0x1ab: {  	s31 =	sadd.s32 $0x70, s25;
	[tilespmem:s22+$0x10] =	vst v63;
	v0 =	vor.u32 s30, v1;
	v10 =	vsel vm12, $0xFF800000, v62;
	v6 =	vsel vm0, v8, v6  }
0x1ac: {  	[tilespmem:s22+$0x20] =	vst v8;
	v0 =	vsel vm0, v0, v9;
	v9 =	vor.u32 s31, v1;
	vm0 =	vgt.f32 v10, v6  }
0x1ad: {  	[tilespmem:s22+$0x30] =	vst v10;
	v8 =	vsel vm0, v10, v6;
	v9 =	vsel vm0, v9, v0  }
0x1ae: {  	s0 =	simm.s32 @!p0 $0x0;
	s21 =	simm.s32 @!p0 $0x2500;
	s20 =	sadd.s32 $0x1, s20  }
0x1af: {  	[hbm4b:s4+s0] =	stream.linear.scatter @!p0 [tilespmem:s21], [sflag:$0x1], $0x680, $0x38;
	[tilespmem:$0x2BA0] =	vst v63  }
0x1b0: {  	p1 =	sne.s32 s20, s10  }
.Ltmp4:
0x1b1: {  	_ = 	snop;
	(pc) =	sbr.rel @p1 .LBB2_1-.Ltmp4, $4  }
0x1b2: {  	s0 =	simm.s32 @!p0 $0x1  }
0x1b3: {  	_ =	swait.ge @!p0 [sflag:s0], $0x680  }
0x1b4: {  	[sflag:s0] =	ssyncset.done @!p0 $0x0  }
0x1b5: {  	[sflag:s0] =	ssyncadd.s32 @!p0 $0xFFFFF980  }
0x1b6: {  	_ =	sfence.sel $0x180000  }
0x1b7: {  	[bflag:$0x0] =	sbarrier.arrive $0xFFFF  }
0x1b8: {  	_ =	strace $0x90000047  }
0x1b9: {  	[bflag:$0x2] =	sbarrier.arrive $0xFFFF  }
0x1ba: {  	p0 =	sne.s32 s2, $0x0;
	s0 =	rddreg [dreg:$0x2]  }
0x1bb: {  	s0 =	sadd.s32 @!p0 $0x100000, s0  }
0x1bc: {  	[sflag:s0] =	ssyncadd.tile.s32 @!p0 $0x1;
	_ =	shalt  }
.Lfunc_end2:
_tile_overlayer_lowered:
.L_overlay_start_2:
0x1bd: {  	(tag) =	ssettag $0x2  }
0x1be: {  	s0 =	rddreg [dreg:$0x0];
	s2 =	stileid.u32  }
0x1bf: {  	s1 =	rddreg [dreg:$0x1];
	p0 =	sne.s32 s2, $0x0  }
0x1c0: {  	s3 =	rddreg [dreg:$0x2];
	[bflag:$0x3] =	sbarrier.arrive $0xFFFF;
	s2 =	simm.s32 @!p0 $0x1C01  }
0x1c1: {  	[timem:s3], [sflag:s2] =	dma.local @!p0 [hbm:s0], s1  }
0x1c2: {  	s0 =	simm.s32 @!p0 $0x1  }
0x1c3: {  	_ =	swait.ge @!p0 [sflag:s0], s1  }
0x1c4: {  	s1 =	ssub.s32 @!p0 $0x0, s1;
	[sflag:s0] =	ssyncset.done @!p0 $0x0  }
0x1c5: {  	[sflag:s0] =	ssyncadd.s32 @!p0 s1  }
0x1c6: {  	[bflag:$0x3] =	sbarrier.arrive $0xFFFF  }
0x1c7: {  	_ =	shalt  }

</sc_bundles>
